<compile_context>
chip_gen: v7x
topology: tpu7x:2x2x1
jax: 0.10.2.dev20260603
libtpu: 0.0.44.dev20260713+nightly
codegen_flags: <defaults>
</compile_context>

<pallas_src>
import jax
import jax.numpy as jnp
from jax import lax
from jax.experimental import pallas as pl
from jax.experimental.pallas import tpu as pltpu
from jax.experimental.pallas import tpu_sc as plsc

N = 100000
D = 128
G = 512
T = 12

NC = 2
NS = 16
NW = NC * NS
L = 16

CH = 256
NSTREAM = NW - 2
KPW = 10
SC_ROWS = CH * NSTREAM * KPW
TC_ROWS = N - SC_ROWS
TB = 800
TC_BLOCKS = TC_ROWS // TB
BSTEPS = 17
NPACK = N // 2


def _zero_rows(ref, row0, rows):
    z = jnp.zeros((L,), jnp.float32)

    def body(i, carry):
        for j in range(D // L):
            ref[i, pl.ds(j * L, L)] = z
        return carry

    lax.fori_loop(row0, row0 + rows, body, 0)


def _lb_packed(pv, targets):
    half = jnp.full((L,), NPACK, jnp.int32)
    lo0 = jnp.zeros((L,), jnp.int32)
    hi0 = jnp.full((L,), N, jnp.int32)
    nm1 = jnp.full((L,), N - 1, jnp.int32)
    one = jnp.full((L,), 1, jnp.int32)

    def step(_, carry):
        lo, hi = carry
        mid = lax.shift_right_logical(lo + hi, one)
        midc = jnp.minimum(mid, nm1)
        in_lo = midc < half
        word = jnp.where(in_lo, midc, midc - NPACK)
        w = plsc.load_gather(pv, [word])
        sh = jnp.where(in_lo, jnp.zeros((L,), jnp.int32),
                       jnp.full((L,), 16, jnp.int32))
        val = jnp.bitwise_and(lax.shift_right_logical(w, sh),
                              jnp.full((L,), 0xFFFF, jnp.int32))
        pred = val >= targets
        act = lo < hi
        hi = jnp.where(jnp.logical_and(pred, act), midc, hi)
        lo = jnp.where(jnp.logical_and(jnp.logical_not(pred), act),
                       midc + 1, lo)
        return lo, hi

    lo, _ = lax.fori_loop(0, BSTEPS, step, (lo0, hi0))
    return lo


def _sc_segment_sums(x, batch, packed):
    mesh = plsc.VectorSubcoreMesh(core_axis_name="c", subcore_axis_name="s")

    def body(x_hbm, batch_hbm, packed_hbm, p0_hbm, p1_hbm, cnts_hbm,
             xbuf0, xbuf1, idxb0, idxb1, packed_v, cnt_v,
             semx0, semx1, semi0, semi1, acc_sh):
        cid = lax.axis_index("c")
        sid = lax.axis_index("s")
        wid = sid * NC + cid
        xbuf = (xbuf0, xbuf1)
        idxb = (idxb0, idxb1)
        semx = (semx0, semx1)
        semi = (semi0, semi1)

        rows_per_tile = G // NS
        _zero_rows(xbuf0, 0, rows_per_tile)
        pltpu.sync_copy(xbuf0.at[pl.ds(0, rows_per_tile)],
                        acc_sh.at[pl.ds(sid * rows_per_tile, rows_per_tile)])
        plsc.subcore_barrier()

        @pl.when(wid < 2)
        def _():
            pltpu.sync_copy(packed_hbm, packed_v)
            lane = lax.broadcasted_iota(jnp.int32, (L,), 0)
            half = wid * (G // 2)

            def cnt_body(t, carry):
                g0 = half + t * L
                lb_lo = _lb_packed(packed_v, g0 + lane)
                lb_hi = _lb_packed(packed_v, g0 + 1 + lane)
                cnt_v[pl.ds(g0, L)] = (lb_hi - lb_lo).astype(jnp.float32)
                return carry

            lax.fori_loop(0, G // 2 // L, cnt_body, 0)
            pltpu.sync_copy(cnt_v.at[pl.ds(half, G // 2)],
                            cnts_hbm.at[pl.ds(half, G // 2)])

        @pl.when(wid >= 2)
        def _():
            j = wid - 2

            def issue(k, b):
                c = j + NSTREAM * k
                pltpu.async_copy(batch_hbm.at[pl.ds(c * CH, 128)],
                                 idxb[b].at[0], semi[b])
                pltpu.async_copy(batch_hbm.at[pl.ds(c * CH + 128, 128)],
                                 idxb[b].at[1], semi[b])
                pltpu.async_copy(x_hbm.at[pl.ds(c * CH, CH)], xbuf[b],
                                 semx[b])

            issue(0, 0)
            issue(1, 1)

            def pair_body(k2, carry):
                for b in range(2):
                    k = 2 * k2 + b
                    for _ in range(2):
                        pltpu.make_async_copy(
                            batch_hbm.at[pl.ds(0, 128)], idxb[b].at[0],
                            semi[b]).wait()
                    pltpu.make_async_copy(
                        x_hbm.at[pl.ds(0, CH)], xbuf[b], semx[b]).wait()
                    for h in range(2):
                        pltpu.sync_copy(xbuf[b].at[pl.ds(h * 128, 128)],
                                        acc_sh.at[idxb[b].at[h]], add=True)

                    @pl.when(k + 2 < KPW)
                    def _():
                        issue(k + 2, b)

                return carry

            lax.fori_loop(0, KPW // 2, pair_body, 0)

        plsc.subcore_barrier()

        lo = sid * rows_per_tile

        @pl.when(cid == 0)
        def _():
            pltpu.sync_copy(acc_sh.at[pl.ds(lo, rows_per_tile)],
                            p0_hbm.at[pl.ds(lo, rows_per_tile)])

        @pl.when(cid == 1)
        def _():
            pltpu.sync_copy(acc_sh.at[pl.ds(lo, rows_per_tile)],
                            p1_hbm.at[pl.ds(lo, rows_per_tile)])

    return pl.kernel(
        body,
        out_type=(
            jax.ShapeDtypeStruct((G, D), jnp.float32),
            jax.ShapeDtypeStruct((G, D), jnp.float32),
            jax.ShapeDtypeStruct((G,), jnp.float32),
        ),
        mesh=mesh,
        scratch_types=[
            pltpu.VMEM((CH, D), jnp.float32),
            pltpu.VMEM((CH, D), jnp.float32),
            pltpu.VMEM((2, 128), jnp.int32),
            pltpu.VMEM((2, 128), jnp.int32),
            pltpu.VMEM((NPACK,), jnp.int32),
            pltpu.VMEM((G,), jnp.float32),
            pltpu.SemaphoreType.DMA,
            pltpu.SemaphoreType.DMA,
            pltpu.SemaphoreType.DMA,
            pltpu.SemaphoreType.DMA,
            pltpu.VMEM_SHARED((G, D), jnp.float32),
        ],
        compiler_params=pltpu.CompilerParams(needs_layout_passes=False),
    )(x, batch, packed)


def _tc_partial_body(xb_ref, bb_ref, o_ref):
    i = pl.program_id(0)

    @pl.when(i == 0)
    def _():
        o_ref[...] = jnp.zeros((G, D), jnp.float32)

    bb = bb_ref[0, 0, :]
    gids = lax.broadcasted_iota(jnp.int32, (G, TB), 0)
    oh = jnp.where(gids == bb[None, :], 1.0, 0.0).astype(jnp.float32)
    o_ref[...] += jnp.dot(oh, xb_ref[...], preferred_element_type=jnp.float32)


def _tc_partial(x, batch3):
    blk0 = SC_ROWS // TB
    return pl.pallas_call(
        _tc_partial_body,
        grid=(TC_BLOCKS,),
        in_specs=[
            pl.BlockSpec((TB, D), lambda i: (blk0 + i, 0)),
            pl.BlockSpec((1, 1, TB), lambda i: (blk0 + i, 0, 0)),
        ],
        out_specs=pl.BlockSpec((G, D), lambda i: (0, 0)),
        out_shape=jax.ShapeDtypeStruct((G, D), jnp.float32),
    )(x, batch3)


def _head_body(p0_ref, p1_ref, tc_ref, cnts_ref, w_ref, b_ref, o_ref):
    sums = p0_ref[...] + p1_ref[...] + tc_ref[...]
    rep = sums / jnp.maximum(cnts_ref[...], 1.0)
    o_ref[...] = (
        jnp.dot(rep, w_ref[...], preferred_element_type=jnp.float32)
        + b_ref[...]
    )


def kernel(x, batch, W, b):
    bi = batch.astype(jnp.int32)
    packed = jnp.bitwise_or(bi[:NPACK], jnp.left_shift(bi[NPACK:], 16))
    batch3 = bi.reshape(N // TB, 1, TB)
    tc_part = _tc_partial(x, batch3)
    p0, p1, cnts = _sc_segment_sums(x, bi, packed)
    out = pl.pallas_call(
        _head_body,
        out_shape=jax.ShapeDtypeStruct((G, T), jnp.float32),
    )(p0, p1, tc_part, cnts.reshape(G, 1), W, b.reshape(1, T))
    return out

# --- scband reference (transcript-rebuilt; emitter-appended) ---
"""Pipeline reference for scband-graph-clf-24953759990394 (READ-ONLY COPY).

The authoritative reference and input builder live on the scoring server;
editing this copy changes nothing except your own understanding.
"""

import jax, jax.numpy as jnp
import numpy as np

N = 100000   # total nodes across the batch of graphs
D = 128      # node feature dim (gnn output dim)
G = 512      # number of graphs in the batch
T = 12       # tox21 -> 12 tasks


def setup_inputs(seed: int = 0) -> dict:
    key = jax.random.key(seed)
    k1, k2, k3, k4 = jax.random.split(key, 4)
    x = jax.random.normal(k1, (N, D), dtype=jnp.float32)
    batch = jnp.sort(jax.random.randint(k2, (N,), 0, G)).astype(jnp.int32)
    # LazyLinear materializes to in_features=D once it sees the pooled rep
    W = jax.random.normal(k3, (D, T), dtype=jnp.float32) * (1.0 / np.sqrt(D))
    b = jax.random.normal(k4, (T,), dtype=jnp.float32) * 0.01
    return {"x": x, "batch": batch, "W": W, "b": b}


def reference(x, batch, W, b):
    # self.gnn is an injected submodule; modeled as identity so the pooling
    # head (the module under test) operates on production-scale node reps.
    node_representation = x
    # global_mean_pool: segment-mean over graphs indexed by `batch`
    sums = jax.ops.segment_sum(node_representation, batch, num_segments=G)
    ones = jnp.ones((node_representation.shape[0], 1), dtype=node_representation.dtype)
    counts = jax.ops.segment_sum(ones, batch, num_segments=G)
    graph_rep = sums / jnp.maximum(counts, 1.0)
    # nn.LazyLinear(num_tasks)
    return graph_rep @ W + b

if __name__ == "__main__":
    import jax
    _d = setup_inputs()
    print(jax.jit(kernel)(*tuple(_d.values())))

</pallas_src>

<mosaic_0001>
#map = affine_map<(d0, d1) -> (0, 0)>
#map1 = affine_map<(d0, d1) -> (0)>
module attributes {stable_mosaic.version = 14 : i64} {
  func.func @body(%arg0: i32, %arg1: i32, %arg2: memref<100000x128xf32, #tpu.memory_space<hbm>>, %arg3: memref<100000xi32, #tpu.memory_space<hbm>>, %arg4: memref<50000xi32, #tpu.memory_space<hbm>>, %arg5: memref<512x128xf32, #tpu.memory_space<hbm>>, %arg6: memref<512x128xf32, #tpu.memory_space<hbm>>, %arg7: memref<512xf32, #tpu.memory_space<hbm>>, %arg8: memref<256x128xf32, #tpu.memory_space<vmem>>, %arg9: memref<256x128xf32, #tpu.memory_space<vmem>>, %arg10: memref<2x128xi32, #tpu.memory_space<vmem>>, %arg11: memref<2x128xi32, #tpu.memory_space<vmem>>, %arg12: memref<50000xi32, #tpu.memory_space<vmem>>, %arg13: memref<512xf32, #tpu.memory_space<vmem>>, %arg14: memref<!tpu.dma_semaphore, #tpu.memory_space<semaphore_mem>>, %arg15: memref<!tpu.dma_semaphore, #tpu.memory_space<semaphore_mem>>, %arg16: memref<!tpu.dma_semaphore, #tpu.memory_space<semaphore_mem>>, %arg17: memref<!tpu.dma_semaphore, #tpu.memory_space<semaphore_mem>>, %arg18: memref<512x128xf32, #tpu.memory_space<vmem_shared>>) attributes {dimension_semantics = [#tpu.dimension_semantics<core_parallel>, #tpu.dimension_semantics<subcore_parallel>], iteration_bounds = array<i64: 2, 16>, scalar_prefetch = 0 : i64, scratch_operands = 11 : i64, tpu.core_type = #tpu.core_type<sc_vector_subcore>, window_params = [{transform_indices = #map}, {transform_indices = #map1}, {transform_indices = #map1}, {transform_indices = #map}, {transform_indices = #map}, {transform_indices = #map1}]} {
    %mul3A = arith.constant 2 : i32
    %mul3A_0 = arith.muli %arg1, %mul3A : i32
    %add3A = arith.addi %mul3A_0, %arg0 : i32
    %broadcast_in_dim3A = arith.constant 0.000000e+00 : f32
    %broadcast_in_dim3A_1 = vector.broadcast %broadcast_in_dim3A : f32 to vector<16xf32>
    %scan3A = arith.constant 0 : i32
    %scan3A_2 = arith.constant 0 : i32
    %scan3A_3 = arith.constant 32 : i32
    %scan3A_4 = arith.addi %scan3A_2, %scan3A_3 : i32
    %scan3A_5 = arith.constant 1 : i32
    scf.for %scan3A_27 = %scan3A_2 to %scan3A_4 step %scan3A_5  : i32 {
      %swap3A = arith.index_cast %scan3A_27 : i32 to index
      %swap3A_28 = arith.constant 0 : index
      %swap3A_29 = tpu.vector_load %arg8[%swap3A, %swap3A_28] {strides = array<i32>} : memref<256x128xf32, #tpu.memory_space<vmem>>, vector<16xf32>,
      tpu.vector_store %arg8[%swap3A, %swap3A_28], %broadcast_in_dim3A_1 {strides = array<i32>} : memref<256x128xf32, #tpu.memory_space<vmem>>, vector<16xf32>,
      %swap3A_30 = arith.index_cast %scan3A_27 : i32 to index
      %swap3A_31 = arith.constant 16 : index
      %swap3A_32 = tpu.vector_load %arg8[%swap3A_30, %swap3A_31] {strides = array<i32>} : memref<256x128xf32, #tpu.memory_space<vmem>>, vector<16xf32>,
      tpu.vector_store %arg8[%swap3A_30, %swap3A_31], %broadcast_in_dim3A_1 {strides = array<i32>} : memref<256x128xf32, #tpu.memory_space<vmem>>, vector<16xf32>,
      %swap3A_33 = arith.index_cast %scan3A_27 : i32 to index
      %swap3A_34 = arith.constant 32 : index
      %swap3A_35 = tpu.vector_load %arg8[%swap3A_33, %swap3A_34] {strides = array<i32>} : memref<256x128xf32, #tpu.memory_space<vmem>>, vector<16xf32>,
      tpu.vector_store %arg8[%swap3A_33, %swap3A_34], %broadcast_in_dim3A_1 {strides = array<i32>} : memref<256x128xf32, #tpu.memory_space<vmem>>, vector<16xf32>,
      %swap3A_36 = arith.index_cast %scan3A_27 : i32 to index
      %swap3A_37 = arith.constant 48 : index
      %swap3A_38 = tpu.vector_load %arg8[%swap3A_36, %swap3A_37] {strides = array<i32>} : memref<256x128xf32, #tpu.memory_space<vmem>>, vector<16xf32>,
      tpu.vector_store %arg8[%swap3A_36, %swap3A_37], %broadcast_in_dim3A_1 {strides = array<i32>} : memref<256x128xf32, #tpu.memory_space<vmem>>, vector<16xf32>,
      %swap3A_39 = arith.index_cast %scan3A_27 : i32 to index
      %swap3A_40 = arith.constant 64 : index
      %swap3A_41 = tpu.vector_load %arg8[%swap3A_39, %swap3A_40] {strides = array<i32>} : memref<256x128xf32, #tpu.memory_space<vmem>>, vector<16xf32>,
      tpu.vector_store %arg8[%swap3A_39, %swap3A_40], %broadcast_in_dim3A_1 {strides = array<i32>} : memref<256x128xf32, #tpu.memory_space<vmem>>, vector<16xf32>,
      %swap3A_42 = arith.index_cast %scan3A_27 : i32 to index
      %swap3A_43 = arith.constant 80 : index
      %swap3A_44 = tpu.vector_load %arg8[%swap3A_42, %swap3A_43] {strides = array<i32>} : memref<256x128xf32, #tpu.memory_space<vmem>>, vector<16xf32>,
      tpu.vector_store %arg8[%swap3A_42, %swap3A_43], %broadcast_in_dim3A_1 {strides = array<i32>} : memref<256x128xf32, #tpu.memory_space<vmem>>, vector<16xf32>,
      %swap3A_45 = arith.index_cast %scan3A_27 : i32 to index
      %swap3A_46 = arith.constant 96 : index
      %swap3A_47 = tpu.vector_load %arg8[%swap3A_45, %swap3A_46] {strides = array<i32>} : memref<256x128xf32, #tpu.memory_space<vmem>>, vector<16xf32>,
      tpu.vector_store %arg8[%swap3A_45, %swap3A_46], %broadcast_in_dim3A_1 {strides = array<i32>} : memref<256x128xf32, #tpu.memory_space<vmem>>, vector<16xf32>,
      %swap3A_48 = arith.index_cast %scan3A_27 : i32 to index
      %swap3A_49 = arith.constant 112 : index
      %swap3A_50 = tpu.vector_load %arg8[%swap3A_48, %swap3A_49] {strides = array<i32>} : memref<256x128xf32, #tpu.memory_space<vmem>>, vector<16xf32>,
      tpu.vector_store %arg8[%swap3A_48, %swap3A_49], %broadcast_in_dim3A_1 {strides = array<i32>} : memref<256x128xf32, #tpu.memory_space<vmem>>, vector<16xf32>,
    }
    %scan3A_6 = arith.constant 32 : i32
    %mul3A_7 = arith.constant 32 : i32
    %mul3A_8 = arith.muli %arg1, %mul3A_7 : i32
    "tpu.region"() ({
      %run_scoped3A = tpu.sem_alloc : memref<!tpu.dma_semaphore, #tpu.memory_space<semaphore_mem>>
      %dma_start3A = arith.constant 0 : i32
      %dma_start3A_27 = arith.constant 0 : i32
      %dma_start3A_28 = tpu.memref_slice %arg8[%dma_start3A, %dma_start3A_27] : memref<256x128xf32, #tpu.memory_space<vmem>> -> memref<32x128xf32, #tpu.memory_space<vmem>>
      %dma_start3A_29 = arith.constant 0 : i32
      %dma_start3A_30 = tpu.memref_slice %arg18[%mul3A_8, %dma_start3A_29] : memref<512x128xf32, #tpu.memory_space<vmem_shared>> -> memref<32x128xf32, #tpu.memory_space<vmem_shared>>
      %dma_start3A_31 = arith.constant 0 : i32
      %dma_start3A_32 = tpu.memref_slice %arg18[%mul3A_8, %dma_start3A_31] : memref<512x128xf32, #tpu.memory_space<vmem_shared>> -> memref<32x128xf32, #tpu.memory_space<vmem_shared>>
      %dma_start3A_33 = arith.constant 0 : i32
      %dma_start3A_34 = arith.constant 0 : i32
      %dma_start3A_35 = tpu.memref_slice %arg8[%dma_start3A_33, %dma_start3A_34] : memref<256x128xf32, #tpu.memory_space<vmem>> -> memref<32x128xf32, #tpu.memory_space<vmem>>
      tpu.enqueue_dma source(%dma_start3A_35 : memref<32x128xf32, #tpu.memory_space<vmem>>) target(%dma_start3A_32 : memref<32x128xf32, #tpu.memory_space<vmem_shared>>) target_semaphore(%run_scoped3A : memref<!tpu.dma_semaphore, #tpu.memory_space<semaphore_mem>>)
      %dma_wait3A = arith.constant 0 : i32
      %dma_wait3A_36 = arith.constant 0 : i32
      %dma_wait3A_37 = tpu.memref_slice %arg8[%dma_wait3A, %dma_wait3A_36] : memref<256x128xf32, #tpu.memory_space<vmem>> -> memref<32x128xf32, #tpu.memory_space<vmem>>
      %dma_wait3A_38 = arith.constant 0 : i32
      %dma_wait3A_39 = tpu.memref_slice %arg18[%mul3A_8, %dma_wait3A_38] : memref<512x128xf32, #tpu.memory_space<vmem_shared>> -> memref<32x128xf32, #tpu.memory_space<vmem_shared>>
      %dma_wait3A_40 = arith.constant 0 : i32
      %dma_wait3A_41 = tpu.memref_slice %arg18[%mul3A_8, %dma_wait3A_40] : memref<512x128xf32, #tpu.memory_space<vmem_shared>> -> memref<32x128xf32, #tpu.memory_space<vmem_shared>>
      %dma_wait3A_42 = arith.constant 0 : i32
      %dma_wait3A_43 = arith.constant 0 : i32
      %dma_wait3A_44 = tpu.memref_slice %arg8[%dma_wait3A_42, %dma_wait3A_43] : memref<256x128xf32, #tpu.memory_space<vmem>> -> memref<32x128xf32, #tpu.memory_space<vmem>>
      tpu.wait_dma2 semaphore(%run_scoped3A : memref<!tpu.dma_semaphore, #tpu.memory_space<semaphore_mem>>) src(%dma_wait3A_44 : memref<32x128xf32, #tpu.memory_space<vmem>>) dst(%dma_wait3A_41 : memref<32x128xf32, #tpu.memory_space<vmem_shared>>)
      tpu.yield
    }) : () -> ()
    %barrier3A = arith.constant 0 : index
    tpu.barrier barrier_id(%barrier3A)
    %lt3A = arith.constant 2 : i32
    %lt3A_9 = arith.cmpi slt, %add3A, %lt3A : i32
    %convert_element_type3A = arith.extui %lt3A_9 : i1 to i32
    %cond3A = arith.constant 0 : i32
    %cond3A_10 = arith.cmpi ne, %convert_element_type3A, %cond3A : i32
    scf.if %cond3A_10 {
      "tpu.region"() ({
        %run_scoped3A = tpu.sem_alloc : memref<!tpu.dma_semaphore, #tpu.memory_space<semaphore_mem>>
        tpu.enqueue_dma source(%arg4 : memref<50000xi32, #tpu.memory_space<hbm>>) target(%arg12 : memref<50000xi32, #tpu.memory_space<vmem>>) target_semaphore(%run_scoped3A : memref<!tpu.dma_semaphore, #tpu.memory_space<semaphore_mem>>)
        tpu.wait_dma2 semaphore(%run_scoped3A : memref<!tpu.dma_semaphore, #tpu.memory_space<semaphore_mem>>) src(%arg4 : memref<50000xi32, #tpu.memory_space<hbm>>) dst(%arg12 : memref<50000xi32, #tpu.memory_space<vmem>>)
        tpu.yield
      }) : () -> ()
      %iota3A = tpu.iota {dimensions = array<i32: 0>} : vector<16xi32>
      %mul3A_27 = arith.constant 256 : i32
      %mul3A_28 = arith.muli %add3A, %mul3A_27 : i32
      %scan3A_29 = arith.constant 0 : i32
      %scan3A_30 = arith.constant 0 : i32
      %scan3A_31 = arith.constant 16 : i32
      %scan3A_32 = arith.addi %scan3A_30, %scan3A_31 : i32
      %scan3A_33 = arith.constant 1 : i32
      scf.for %scan3A_35 = %scan3A_30 to %scan3A_32 step %scan3A_33  : i32 {
        %mul3A_36 = arith.constant 16 : i32
        %mul3A_37 = arith.muli %scan3A_35, %mul3A_36 : i32
        %add3A_38 = arith.addi %mul3A_28, %mul3A_37 : i32
        %add3A_39 = vector.broadcast %add3A_38 : i32 to vector<16xi32>
        %add3A_40 = arith.addi %add3A_39, %iota3A : vector<16xi32>
        %broadcast_in_dim3A_41 = arith.constant 50000 : i32
        %broadcast_in_dim3A_42 = vector.broadcast %broadcast_in_dim3A_41 : i32 to vector<16xi32>
        %broadcast_in_dim3A_43 = arith.constant 0 : i32
        %broadcast_in_dim3A_44 = vector.broadcast %broadcast_in_dim3A_43 : i32 to vector<16xi32>
        %broadcast_in_dim3A_45 = arith.constant 100000 : i32
        %broadcast_in_dim3A_46 = vector.broadcast %broadcast_in_dim3A_45 : i32 to vector<16xi32>
        %broadcast_in_dim3A_47 = arith.constant 99999 : i32
        %broadcast_in_dim3A_48 = vector.broadcast %broadcast_in_dim3A_47 : i32 to vector<16xi32>
        %broadcast_in_dim3A_49 = arith.constant 1 : i32
        %broadcast_in_dim3A_50 = vector.broadcast %broadcast_in_dim3A_49 : i32 to vector<16xi32>
        %scan3A_51 = arith.constant 0 : i32
        %scan3A_52 = arith.constant 17 : i32
        %scan3A_53 = arith.addi %scan3A_51, %scan3A_52 : i32
        %scan3A_54 = arith.constant 1 : i32
        %scan3A_55:2 = scf.for %scan3A_79 = %scan3A_51 to %scan3A_53 step %scan3A_54 iter_args(%scan3A_80 = %broadcast_in_dim3A_44, %scan3A_81 = %broadcast_in_dim3A_46) -> (vector<16xi32>, vector<16xi32>)  : i32 {
          %add3A_82 = arith.addi %scan3A_80, %scan3A_81 : vector<16xi32>
          %shift_right_logical3A = arith.shrui %add3A_82, %broadcast_in_dim3A_50 : vector<16xi32>
          %min3A = arith.minsi %shift_right_logical3A, %broadcast_in_dim3A_48 : vector<16xi32>
          %lt3A_83 = arith.cmpi slt, %min3A, %broadcast_in_dim3A_42 : vector<16xi32>
          %sub3A_84 = arith.constant 50000 : i32
          %sub3A_85 = vector.broadcast %sub3A_84 : i32 to vector<16xi32>
          %sub3A_86 = arith.subi %min3A, %sub3A_85 : vector<16xi32>
          %select_n3A = arith.select %lt3A_83, %min3A, %sub3A_86 : vector<16xi1>, vector<16xi32>
          %gather3A = tpu.vector_load_idx %arg12[%select_n3A] : memref<50000xi32, #tpu.memory_space<vmem>>[vector<16xi32>], vector<16xi32>,
          %broadcast_in_dim3A_87 = arith.constant 0 : i32
          %broadcast_in_dim3A_88 = vector.broadcast %broadcast_in_dim3A_87 : i32 to vector<16xi32>
          %broadcast_in_dim3A_89 = arith.constant 16 : i32
          %broadcast_in_dim3A_90 = vector.broadcast %broadcast_in_dim3A_89 : i32 to vector<16xi32>
          %select_n3A_91 = arith.select %lt3A_83, %broadcast_in_dim3A_88, %broadcast_in_dim3A_90 : vector<16xi1>, vector<16xi32>
          %shift_right_logical3A_92 = arith.shrui %gather3A, %select_n3A_91 : vector<16xi32>
          %broadcast_in_dim3A_93 = arith.constant 65535 : i32
          %broadcast_in_dim3A_94 = vector.broadcast %broadcast_in_dim3A_93 : i32 to vector<16xi32>
          %and3A = arith.andi %shift_right_logical3A_92, %broadcast_in_dim3A_94 : vector<16xi32>
          %ge3A_95 = arith.cmpi sge, %and3A, %add3A_40 : vector<16xi32>
          %lt3A_96 = arith.cmpi slt, %scan3A_80, %scan3A_81 : vector<16xi32>
          %and3A_97 = arith.andi %ge3A_95, %lt3A_96 : vector<16xi1>
          %select_n3A_98 = arith.select %and3A_97, %min3A, %scan3A_81 : vector<16xi1>, vector<16xi32>
          %not3A = arith.constant dense<true> : vector<16xi1>
          %not3A_99 = arith.xori %ge3A_95, %not3A : vector<16xi1>
          %and3A_100 = arith.andi %not3A_99, %lt3A_96 : vector<16xi1>
          %add3A_101 = arith.constant 1 : i32
          %add3A_102 = vector.broadcast %add3A_101 : i32 to vector<16xi32>
          %add3A_103 = arith.addi %min3A, %add3A_102 : vector<16xi32>
          %select_n3A_104 = arith.select %and3A_100, %add3A_103, %scan3A_80 : vector<16xi1>, vector<16xi32>
          scf.yield %select_n3A_104, %select_n3A_98 : vector<16xi32>, vector<16xi32>
        }
        %scan3A_56 = arith.constant 17 : i32
        %add3A_57 = arith.constant 1 : i32
        %add3A_58 = arith.addi %add3A_38, %add3A_57 : i32
        %add3A_59 = vector.broadcast %add3A_58 : i32 to vector<16xi32>
        %add3A_60 = arith.addi %add3A_59, %iota3A : vector<16xi32>
        %broadcast_in_dim3A_61 = arith.constant 50000 : i32
        %broadcast_in_dim3A_62 = vector.broadcast %broadcast_in_dim3A_61 : i32 to vector<16xi32>
        %broadcast_in_dim3A_63 = arith.constant 0 : i32
        %broadcast_in_dim3A_64 = vector.broadcast %broadcast_in_dim3A_63 : i32 to vector<16xi32>
        %broadcast_in_dim3A_65 = arith.constant 100000 : i32
        %broadcast_in_dim3A_66 = vector.broadcast %broadcast_in_dim3A_65 : i32 to vector<16xi32>
        %broadcast_in_dim3A_67 = arith.constant 99999 : i32
        %broadcast_in_dim3A_68 = vector.broadcast %broadcast_in_dim3A_67 : i32 to vector<16xi32>
        %broadcast_in_dim3A_69 = arith.constant 1 : i32
        %broadcast_in_dim3A_70 = vector.broadcast %broadcast_in_dim3A_69 : i32 to vector<16xi32>
        %scan3A_71 = arith.constant 0 : i32
        %scan3A_72 = arith.constant 17 : i32
        %scan3A_73 = arith.addi %scan3A_71, %scan3A_72 : i32
        %scan3A_74 = arith.constant 1 : i32
        %scan3A_75:2 = scf.for %scan3A_79 = %scan3A_71 to %scan3A_73 step %scan3A_74 iter_args(%scan3A_80 = %broadcast_in_dim3A_64, %scan3A_81 = %broadcast_in_dim3A_66) -> (vector<16xi32>, vector<16xi32>)  : i32 {
          %add3A_82 = arith.addi %scan3A_80, %scan3A_81 : vector<16xi32>
          %shift_right_logical3A = arith.shrui %add3A_82, %broadcast_in_dim3A_70 : vector<16xi32>
          %min3A = arith.minsi %shift_right_logical3A, %broadcast_in_dim3A_68 : vector<16xi32>
          %lt3A_83 = arith.cmpi slt, %min3A, %broadcast_in_dim3A_62 : vector<16xi32>
          %sub3A_84 = arith.constant 50000 : i32
          %sub3A_85 = vector.broadcast %sub3A_84 : i32 to vector<16xi32>
          %sub3A_86 = arith.subi %min3A, %sub3A_85 : vector<16xi32>
          %select_n3A = arith.select %lt3A_83, %min3A, %sub3A_86 : vector<16xi1>, vector<16xi32>
          %gather3A = tpu.vector_load_idx %arg12[%select_n3A] : memref<50000xi32, #tpu.memory_space<vmem>>[vector<16xi32>], vector<16xi32>,
          %broadcast_in_dim3A_87 = arith.constant 0 : i32
          %broadcast_in_dim3A_88 = vector.broadcast %broadcast_in_dim3A_87 : i32 to vector<16xi32>
          %broadcast_in_dim3A_89 = arith.constant 16 : i32
          %broadcast_in_dim3A_90 = vector.broadcast %broadcast_in_dim3A_89 : i32 to vector<16xi32>
          %select_n3A_91 = arith.select %lt3A_83, %broadcast_in_dim3A_88, %broadcast_in_dim3A_90 : vector<16xi1>, vector<16xi32>
          %shift_right_logical3A_92 = arith.shrui %gather3A, %select_n3A_91 : vector<16xi32>
          %broadcast_in_dim3A_93 = arith.constant 65535 : i32
          %broadcast_in_dim3A_94 = vector.broadcast %broadcast_in_dim3A_93 : i32 to vector<16xi32>
          %and3A = arith.andi %shift_right_logical3A_92, %broadcast_in_dim3A_94 : vector<16xi32>
          %ge3A_95 = arith.cmpi sge, %and3A, %add3A_60 : vector<16xi32>
          %lt3A_96 = arith.cmpi slt, %scan3A_80, %scan3A_81 : vector<16xi32>
          %and3A_97 = arith.andi %ge3A_95, %lt3A_96 : vector<16xi1>
          %select_n3A_98 = arith.select %and3A_97, %min3A, %scan3A_81 : vector<16xi1>, vector<16xi32>
          %not3A = arith.constant dense<true> : vector<16xi1>
          %not3A_99 = arith.xori %ge3A_95, %not3A : vector<16xi1>
          %and3A_100 = arith.andi %not3A_99, %lt3A_96 : vector<16xi1>
          %add3A_101 = arith.constant 1 : i32
          %add3A_102 = vector.broadcast %add3A_101 : i32 to vector<16xi32>
          %add3A_103 = arith.addi %min3A, %add3A_102 : vector<16xi32>
          %select_n3A_104 = arith.select %and3A_100, %add3A_103, %scan3A_80 : vector<16xi1>, vector<16xi32>
          scf.yield %select_n3A_104, %select_n3A_98 : vector<16xi32>, vector<16xi32>
        }
        %scan3A_76 = arith.constant 17 : i32
        %sub3A = arith.subi %scan3A_75#0, %scan3A_55#0 : vector<16xi32>
        %convert_element_type3A_77 = arith.sitofp %sub3A : vector<16xi32> to vector<16xf32>
        %swap3A = arith.index_cast %add3A_38 : i32 to index
        %swap3A_78 = tpu.vector_load %arg13[%swap3A] {strides = array<i32>} : memref<512xf32, #tpu.memory_space<vmem>>, vector<16xf32>,
        tpu.vector_store %arg13[%swap3A], %convert_element_type3A_77 {strides = array<i32>} : memref<512xf32, #tpu.memory_space<vmem>>, vector<16xf32>,
      }
      %scan3A_34 = arith.constant 16 : i32
      "tpu.region"() ({
        %run_scoped3A = tpu.sem_alloc : memref<!tpu.dma_semaphore, #tpu.memory_space<semaphore_mem>>
        %dma_start3A = tpu.memref_slice %arg13[%mul3A_28] : memref<512xf32, #tpu.memory_space<vmem>> -> memref<256xf32, #tpu.memory_space<vmem>>
        %dma_start3A_35 = tpu.memref_slice %arg7[%mul3A_28] : memref<512xf32, #tpu.memory_space<hbm>> -> memref<256xf32, #tpu.memory_space<hbm>>
        %dma_start3A_36 = tpu.memref_slice %arg7[%mul3A_28] : memref<512xf32, #tpu.memory_space<hbm>> -> memref<256xf32, #tpu.memory_space<hbm>>
        %dma_start3A_37 = tpu.memref_slice %arg13[%mul3A_28] : memref<512xf32, #tpu.memory_space<vmem>> -> memref<256xf32, #tpu.memory_space<vmem>>
        tpu.enqueue_dma source(%dma_start3A_37 : memref<256xf32, #tpu.memory_space<vmem>>) target(%dma_start3A_36 : memref<256xf32, #tpu.memory_space<hbm>>) target_semaphore(%run_scoped3A : memref<!tpu.dma_semaphore, #tpu.memory_space<semaphore_mem>>)
        %dma_wait3A = tpu.memref_slice %arg13[%mul3A_28] : memref<512xf32, #tpu.memory_space<vmem>> -> memref<256xf32, #tpu.memory_space<vmem>>
        %dma_wait3A_38 = tpu.memref_slice %arg7[%mul3A_28] : memref<512xf32, #tpu.memory_space<hbm>> -> memref<256xf32, #tpu.memory_space<hbm>>
        %dma_wait3A_39 = tpu.memref_slice %arg7[%mul3A_28] : memref<512xf32, #tpu.memory_space<hbm>> -> memref<256xf32, #tpu.memory_space<hbm>>
        %dma_wait3A_40 = tpu.memref_slice %arg13[%mul3A_28] : memref<512xf32, #tpu.memory_space<vmem>> -> memref<256xf32, #tpu.memory_space<vmem>>
        tpu.wait_dma2 semaphore(%run_scoped3A : memref<!tpu.dma_semaphore, #tpu.memory_space<semaphore_mem>>) src(%dma_wait3A_40 : memref<256xf32, #tpu.memory_space<vmem>>) dst(%dma_wait3A_39 : memref<256xf32, #tpu.memory_space<hbm>>)
        tpu.yield
      }) : () -> ()
    } else {
    }
    %ge3A = arith.constant 2 : i32
    %ge3A_11 = arith.cmpi sge, %add3A, %ge3A : i32
    %convert_element_type3A_12 = arith.extui %ge3A_11 : i1 to i32
    %cond3A_13 = arith.constant 0 : i32
    %cond3A_14 = arith.cmpi ne, %convert_element_type3A_12, %cond3A_13 : i32
    scf.if %cond3A_14 {
      %sub3A = arith.constant 2 : i32
      %sub3A_27 = arith.subi %add3A, %sub3A : i32
      %add3A_28 = arith.constant 0 : i32
      %add3A_29 = arith.addi %sub3A_27, %add3A_28 : i32
      %mul3A_30 = arith.constant 256 : i32
      %mul3A_31 = arith.muli %add3A_29, %mul3A_30 : i32
      %dma_start3A = arith.constant 0 : i32
      %dma_start3A_32 = arith.constant 0 : i32
      %dma_start3A_33 = tpu.memref_slice %arg10[%dma_start3A, %dma_start3A_32] : memref<2x128xi32, #tpu.memory_space<vmem>> -> memref<1x128xi32, #tpu.memory_space<vmem>>
      %dma_start3A_34 = tpu.memref_squeeze %dma_start3A_33 : memref<1x128xi32, #tpu.memory_space<vmem>> -> memref<128xi32, #tpu.memory_space<vmem>>
      %dma_start3A_35 = tpu.memref_slice %arg3[%mul3A_31] : memref<100000xi32, #tpu.memory_space<hbm>> -> memref<128xi32, #tpu.memory_space<hbm>>
      %dma_start3A_36 = arith.constant 0 : i32
      %dma_start3A_37 = tpu.memref_slice %arg10[%dma_start3A, %dma_start3A_36] : memref<2x128xi32, #tpu.memory_space<vmem>> -> memref<1x128xi32, #tpu.memory_space<vmem>>
      %dma_start3A_38 = tpu.memref_squeeze %dma_start3A_37 : memref<1x128xi32, #tpu.memory_space<vmem>> -> memref<128xi32, #tpu.memory_space<vmem>>
      %dma_start3A_39 = tpu.memref_slice %arg3[%mul3A_31] : memref<100000xi32, #tpu.memory_space<hbm>> -> memref<128xi32, #tpu.memory_space<hbm>>
      tpu.enqueue_dma source(%dma_start3A_39 : memref<128xi32, #tpu.memory_space<hbm>>) target(%dma_start3A_38 : memref<128xi32, #tpu.memory_space<vmem>>) target_semaphore(%arg16 : memref<!tpu.dma_semaphore, #tpu.memory_space<semaphore_mem>>)
      %mul3A_40 = arith.constant 256 : i32
      %mul3A_41 = arith.muli %add3A_29, %mul3A_40 : i32
      %add3A_42 = arith.constant 128 : i32
      %add3A_43 = arith.addi %mul3A_41, %add3A_42 : i32
      %dma_start3A_44 = arith.constant 1 : i32
      %dma_start3A_45 = arith.constant 0 : i32
      %dma_start3A_46 = tpu.memref_slice %arg10[%dma_start3A_44, %dma_start3A_45] : memref<2x128xi32, #tpu.memory_space<vmem>> -> memref<1x128xi32, #tpu.memory_space<vmem>>
      %dma_start3A_47 = tpu.memref_squeeze %dma_start3A_46 : memref<1x128xi32, #tpu.memory_space<vmem>> -> memref<128xi32, #tpu.memory_space<vmem>>
      %dma_start3A_48 = tpu.memref_slice %arg3[%add3A_43] : memref<100000xi32, #tpu.memory_space<hbm>> -> memref<128xi32, #tpu.memory_space<hbm>>
      %dma_start3A_49 = arith.constant 0 : i32
      %dma_start3A_50 = tpu.memref_slice %arg10[%dma_start3A_44, %dma_start3A_49] : memref<2x128xi32, #tpu.memory_space<vmem>> -> memref<1x128xi32, #tpu.memory_space<vmem>>
      %dma_start3A_51 = tpu.memref_squeeze %dma_start3A_50 : memref<1x128xi32, #tpu.memory_space<vmem>> -> memref<128xi32, #tpu.memory_space<vmem>>
      %dma_start3A_52 = tpu.memref_slice %arg3[%add3A_43] : memref<100000xi32, #tpu.memory_space<hbm>> -> memref<128xi32, #tpu.memory_space<hbm>>
      tpu.enqueue_dma source(%dma_start3A_52 : memref<128xi32, #tpu.memory_space<hbm>>) target(%dma_start3A_51 : memref<128xi32, #tpu.memory_space<vmem>>) target_semaphore(%arg16 : memref<!tpu.dma_semaphore, #tpu.memory_space<semaphore_mem>>)
      %mul3A_53 = arith.constant 256 : i32
      %mul3A_54 = arith.muli %add3A_29, %mul3A_53 : i32
      %dma_start3A_55 = arith.constant 0 : i32
      %dma_start3A_56 = tpu.memref_slice %arg2[%mul3A_54, %dma_start3A_55] : memref<100000x128xf32, #tpu.memory_space<hbm>> -> memref<256x128xf32, #tpu.memory_space<hbm>>
      %dma_start3A_57 = arith.constant 0 : i32
      %dma_start3A_58 = tpu.memref_slice %arg2[%mul3A_54, %dma_start3A_57] : memref<100000x128xf32, #tpu.memory_space<hbm>> -> memref<256x128xf32, #tpu.memory_space<hbm>>
      tpu.enqueue_dma source(%dma_start3A_58 : memref<256x128xf32, #tpu.memory_space<hbm>>) target(%arg8 : memref<256x128xf32, #tpu.memory_space<vmem>>) target_semaphore(%arg14 : memref<!tpu.dma_semaphore, #tpu.memory_space<semaphore_mem>>)
      %add3A_59 = arith.constant 30 : i32
      %add3A_60 = arith.addi %sub3A_27, %add3A_59 : i32
      %mul3A_61 = arith.constant 256 : i32
      %mul3A_62 = arith.muli %add3A_60, %mul3A_61 : i32
      %dma_start3A_63 = arith.constant 0 : i32
      %dma_start3A_64 = arith.constant 0 : i32
      %dma_start3A_65 = tpu.memref_slice %arg11[%dma_start3A_63, %dma_start3A_64] : memref<2x128xi32, #tpu.memory_space<vmem>> -> memref<1x128xi32, #tpu.memory_space<vmem>>
      %dma_start3A_66 = tpu.memref_squeeze %dma_start3A_65 : memref<1x128xi32, #tpu.memory_space<vmem>> -> memref<128xi32, #tpu.memory_space<vmem>>
      %dma_start3A_67 = tpu.memref_slice %arg3[%mul3A_62] : memref<100000xi32, #tpu.memory_space<hbm>> -> memref<128xi32, #tpu.memory_space<hbm>>
      %dma_start3A_68 = arith.constant 0 : i32
      %dma_start3A_69 = tpu.memref_slice %arg11[%dma_start3A_63, %dma_start3A_68] : memref<2x128xi32, #tpu.memory_space<vmem>> -> memref<1x128xi32, #tpu.memory_space<vmem>>
      %dma_start3A_70 = tpu.memref_squeeze %dma_start3A_69 : memref<1x128xi32, #tpu.memory_space<vmem>> -> memref<128xi32, #tpu.memory_space<vmem>>
      %dma_start3A_71 = tpu.memref_slice %arg3[%mul3A_62] : memref<100000xi32, #tpu.memory_space<hbm>> -> memref<128xi32, #tpu.memory_space<hbm>>
      tpu.enqueue_dma source(%dma_start3A_71 : memref<128xi32, #tpu.memory_space<hbm>>) target(%dma_start3A_70 : memref<128xi32, #tpu.memory_space<vmem>>) target_semaphore(%arg17 : memref<!tpu.dma_semaphore, #tpu.memory_space<semaphore_mem>>)
      %mul3A_72 = arith.constant 256 : i32
      %mul3A_73 = arith.muli %add3A_60, %mul3A_72 : i32
      %add3A_74 = arith.constant 128 : i32
      %add3A_75 = arith.addi %mul3A_73, %add3A_74 : i32
      %dma_start3A_76 = arith.constant 1 : i32
      %dma_start3A_77 = arith.constant 0 : i32
      %dma_start3A_78 = tpu.memref_slice %arg11[%dma_start3A_76, %dma_start3A_77] : memref<2x128xi32, #tpu.memory_space<vmem>> -> memref<1x128xi32, #tpu.memory_space<vmem>>
      %dma_start3A_79 = tpu.memref_squeeze %dma_start3A_78 : memref<1x128xi32, #tpu.memory_space<vmem>> -> memref<128xi32, #tpu.memory_space<vmem>>
      %dma_start3A_80 = tpu.memref_slice %arg3[%add3A_75] : memref<100000xi32, #tpu.memory_space<hbm>> -> memref<128xi32, #tpu.memory_space<hbm>>
      %dma_start3A_81 = arith.constant 0 : i32
      %dma_start3A_82 = tpu.memref_slice %arg11[%dma_start3A_76, %dma_start3A_81] : memref<2x128xi32, #tpu.memory_space<vmem>> -> memref<1x128xi32, #tpu.memory_space<vmem>>
      %dma_start3A_83 = tpu.memref_squeeze %dma_start3A_82 : memref<1x128xi32, #tpu.memory_space<vmem>> -> memref<128xi32, #tpu.memory_space<vmem>>
      %dma_start3A_84 = tpu.memref_slice %arg3[%add3A_75] : memref<100000xi32, #tpu.memory_space<hbm>> -> memref<128xi32, #tpu.memory_space<hbm>>
      tpu.enqueue_dma source(%dma_start3A_84 : memref<128xi32, #tpu.memory_space<hbm>>) target(%dma_start3A_83 : memref<128xi32, #tpu.memory_space<vmem>>) target_semaphore(%arg17 : memref<!tpu.dma_semaphore, #tpu.memory_space<semaphore_mem>>)
      %mul3A_85 = arith.constant 256 : i32
      %mul3A_86 = arith.muli %add3A_60, %mul3A_85 : i32
      %dma_start3A_87 = arith.constant 0 : i32
      %dma_start3A_88 = tpu.memref_slice %arg2[%mul3A_86, %dma_start3A_87] : memref<100000x128xf32, #tpu.memory_space<hbm>> -> memref<256x128xf32, #tpu.memory_space<hbm>>
      %dma_start3A_89 = arith.constant 0 : i32
      %dma_start3A_90 = tpu.memref_slice %arg2[%mul3A_86, %dma_start3A_89] : memref<100000x128xf32, #tpu.memory_space<hbm>> -> memref<256x128xf32, #tpu.memory_space<hbm>>
      tpu.enqueue_dma source(%dma_start3A_90 : memref<256x128xf32, #tpu.memory_space<hbm>>) target(%arg9 : memref<256x128xf32, #tpu.memory_space<vmem>>) target_semaphore(%arg15 : memref<!tpu.dma_semaphore, #tpu.memory_space<semaphore_mem>>)
      %scan3A_91 = arith.constant 0 : i32
      %scan3A_92 = arith.constant 0 : i32
      %scan3A_93 = arith.constant 5 : i32
      %scan3A_94 = arith.addi %scan3A_92, %scan3A_93 : i32
      %scan3A_95 = arith.constant 1 : i32
      scf.for %scan3A_97 = %scan3A_92 to %scan3A_94 step %scan3A_95  : i32 {
        %mul3A_98 = arith.constant 2 : i32
        %mul3A_99 = arith.muli %mul3A_98, %scan3A_97 : i32
        %add3A_100 = arith.constant 0 : i32
        %add3A_101 = arith.addi %mul3A_99, %add3A_100 : i32
        %dma_wait3A = arith.constant 0 : i32
        %dma_wait3A_102 = arith.constant 0 : i32
        %dma_wait3A_103 = tpu.memref_slice %arg10[%dma_wait3A, %dma_wait3A_102] : memref<2x128xi32, #tpu.memory_space<vmem>> -> memref<1x128xi32, #tpu.memory_space<vmem>>
        %dma_wait3A_104 = tpu.memref_squeeze %dma_wait3A_103 : memref<1x128xi32, #tpu.memory_space<vmem>> -> memref<128xi32, #tpu.memory_space<vmem>>
        %dma_wait3A_105 = arith.constant 0 : i32
        %dma_wait3A_106 = tpu.memref_slice %arg3[%dma_wait3A_105] : memref<100000xi32, #tpu.memory_space<hbm>> -> memref<128xi32, #tpu.memory_space<hbm>>
        %dma_wait3A_107 = arith.constant 0 : i32
        %dma_wait3A_108 = tpu.memref_slice %arg10[%dma_wait3A, %dma_wait3A_107] : memref<2x128xi32, #tpu.memory_space<vmem>> -> memref<1x128xi32, #tpu.memory_space<vmem>>
        %dma_wait3A_109 = tpu.memref_squeeze %dma_wait3A_108 : memref<1x128xi32, #tpu.memory_space<vmem>> -> memref<128xi32, #tpu.memory_space<vmem>>
        %dma_wait3A_110 = arith.constant 0 : i32
        %dma_wait3A_111 = tpu.memref_slice %arg3[%dma_wait3A_110] : memref<100000xi32, #tpu.memory_space<hbm>> -> memref<128xi32, #tpu.memory_space<hbm>>
        tpu.wait_dma2 semaphore(%arg16 : memref<!tpu.dma_semaphore, #tpu.memory_space<semaphore_mem>>) src(%dma_wait3A_111 : memref<128xi32, #tpu.memory_space<hbm>>) dst(%dma_wait3A_109 : memref<128xi32, #tpu.memory_space<vmem>>)
        %dma_wait3A_112 = arith.constant 0 : i32
        %dma_wait3A_113 = arith.constant 0 : i32
        %dma_wait3A_114 = tpu.memref_slice %arg10[%dma_wait3A_112, %dma_wait3A_113] : memref<2x128xi32, #tpu.memory_space<vmem>> -> memref<1x128xi32, #tpu.memory_space<vmem>>
        %dma_wait3A_115 = tpu.memref_squeeze %dma_wait3A_114 : memref<1x128xi32, #tpu.memory_space<vmem>> -> memref<128xi32, #tpu.memory_space<vmem>>
        %dma_wait3A_116 = arith.constant 0 : i32
        %dma_wait3A_117 = tpu.memref_slice %arg3[%dma_wait3A_116] : memref<100000xi32, #tpu.memory_space<hbm>> -> memref<128xi32, #tpu.memory_space<hbm>>
        %dma_wait3A_118 = arith.constant 0 : i32
        %dma_wait3A_119 = tpu.memref_slice %arg10[%dma_wait3A_112, %dma_wait3A_118] : memref<2x128xi32, #tpu.memory_space<vmem>> -> memref<1x128xi32, #tpu.memory_space<vmem>>
        %dma_wait3A_120 = tpu.memref_squeeze %dma_wait3A_119 : memref<1x128xi32, #tpu.memory_space<vmem>> -> memref<128xi32, #tpu.memory_space<vmem>>
        %dma_wait3A_121 = arith.constant 0 : i32
        %dma_wait3A_122 = tpu.memref_slice %arg3[%dma_wait3A_121] : memref<100000xi32, #tpu.memory_space<hbm>> -> memref<128xi32, #tpu.memory_space<hbm>>
        tpu.wait_dma2 semaphore(%arg16 : memref<!tpu.dma_semaphore, #tpu.memory_space<semaphore_mem>>) src(%dma_wait3A_122 : memref<128xi32, #tpu.memory_space<hbm>>) dst(%dma_wait3A_120 : memref<128xi32, #tpu.memory_space<vmem>>)
        %dma_wait3A_123 = arith.constant 0 : i32
        %dma_wait3A_124 = arith.constant 0 : i32
        %dma_wait3A_125 = tpu.memref_slice %arg2[%dma_wait3A_123, %dma_wait3A_124] : memref<100000x128xf32, #tpu.memory_space<hbm>> -> memref<256x128xf32, #tpu.memory_space<hbm>>
        %dma_wait3A_126 = arith.constant 0 : i32
        %dma_wait3A_127 = arith.constant 0 : i32
        %dma_wait3A_128 = tpu.memref_slice %arg2[%dma_wait3A_126, %dma_wait3A_127] : memref<100000x128xf32, #tpu.memory_space<hbm>> -> memref<256x128xf32, #tpu.memory_space<hbm>>
        tpu.wait_dma2 semaphore(%arg14 : memref<!tpu.dma_semaphore, #tpu.memory_space<semaphore_mem>>) src(%dma_wait3A_128 : memref<256x128xf32, #tpu.memory_space<hbm>>) dst(%arg8 : memref<256x128xf32, #tpu.memory_space<vmem>>)
        %run_scoped3A = arith.constant 0 : i32
        "tpu.region"() ({
          %run_scoped3A_178 = tpu.sem_alloc : memref<!tpu.dma_semaphore, #tpu.memory_space<semaphore_mem>>
          %dma_start3A_179 = arith.constant 0 : i32
          %dma_start3A_180 = arith.constant 0 : i32
          %dma_start3A_181 = tpu.memref_slice %arg8[%dma_start3A_179, %dma_start3A_180] : memref<256x128xf32, #tpu.memory_space<vmem>> -> memref<128x128xf32, #tpu.memory_space<vmem>>
          %dma_start3A_182 = arith.constant 0 : i32
          %dma_start3A_183 = tpu.memref_slice %arg10[%run_scoped3A, %dma_start3A_182] : memref<2x128xi32, #tpu.memory_space<vmem>> -> memref<1x128xi32, #tpu.memory_space<vmem>>
          %dma_start3A_184 = tpu.memref_squeeze %dma_start3A_183 : memref<1x128xi32, #tpu.memory_space<vmem>> -> memref<128xi32, #tpu.memory_space<vmem>>
          %dma_start3A_185 = arith.constant 0 : i32
          %dma_start3A_186 = arith.constant 0 : i32
          %dma_start3A_187 = tpu.memref_slice %arg18[%dma_start3A_185, %dma_start3A_186] : memref<512x128xf32, #tpu.memory_space<vmem_shared>> -> memref<512x128xf32, #tpu.memory_space<vmem_shared>>
          tpu.enqueue_indirect_dma source(%dma_start3A_181 : memref<128x128xf32, #tpu.memory_space<vmem>>) target(%dma_start3A_187 : memref<512x128xf32, #tpu.memory_space<vmem_shared>>) offsets(%dma_start3A_184 : memref<128xi32, #tpu.memory_space<vmem>>) semaphore(%run_scoped3A_178 : memref<!tpu.dma_semaphore, #tpu.memory_space<semaphore_mem>>) {add = true}
          %dma_wait3A_188 = arith.constant 0 : i32
          %dma_wait3A_189 = arith.constant 0 : i32
          %dma_wait3A_190 = tpu.memref_slice %arg8[%dma_wait3A_188, %dma_wait3A_189] : memref<256x128xf32, #tpu.memory_space<vmem>> -> memref<128x128xf32, #tpu.memory_space<vmem>>
          %dma_wait3A_191 = arith.constant 0 : i32
          %dma_wait3A_192 = tpu.memref_slice %arg10[%run_scoped3A, %dma_wait3A_191] : memref<2x128xi32, #tpu.memory_space<vmem>> -> memref<1x128xi32, #tpu.memory_space<vmem>>
          %dma_wait3A_193 = tpu.memref_squeeze %dma_wait3A_192 : memref<1x128xi32, #tpu.memory_space<vmem>> -> memref<128xi32, #tpu.memory_space<vmem>>
          %dma_wait3A_194 = arith.constant 0 : i32
          %dma_wait3A_195 = arith.constant 0 : i32
          %dma_wait3A_196 = tpu.memref_slice %arg18[%dma_wait3A_194, %dma_wait3A_195] : memref<512x128xf32, #tpu.memory_space<vmem_shared>> -> memref<512x128xf32, #tpu.memory_space<vmem_shared>>
          tpu.wait_indirect_dma semaphore(%run_scoped3A_178 : memref<!tpu.dma_semaphore, #tpu.memory_space<semaphore_mem>>) src(%dma_wait3A_190 : memref<128x128xf32, #tpu.memory_space<vmem>>) dst(%dma_wait3A_196 : memref<512x128xf32, #tpu.memory_space<vmem_shared>>)
          tpu.yield
        }) : () -> ()
        %run_scoped3A_129 = arith.constant 1 : i32
        "tpu.region"() ({
          %run_scoped3A_178 = tpu.sem_alloc : memref<!tpu.dma_semaphore, #tpu.memory_space<semaphore_mem>>
          %dma_start3A_179 = arith.constant 128 : i32
          %dma_start3A_180 = arith.constant 0 : i32
          %dma_start3A_181 = tpu.memref_slice %arg8[%dma_start3A_179, %dma_start3A_180] : memref<256x128xf32, #tpu.memory_space<vmem>> -> memref<128x128xf32, #tpu.memory_space<vmem>>
          %dma_start3A_182 = arith.constant 0 : i32
          %dma_start3A_183 = tpu.memref_slice %arg10[%run_scoped3A_129, %dma_start3A_182] : memref<2x128xi32, #tpu.memory_space<vmem>> -> memref<1x128xi32, #tpu.memory_space<vmem>>
          %dma_start3A_184 = tpu.memref_squeeze %dma_start3A_183 : memref<1x128xi32, #tpu.memory_space<vmem>> -> memref<128xi32, #tpu.memory_space<vmem>>
          %dma_start3A_185 = arith.constant 0 : i32
          %dma_start3A_186 = arith.constant 0 : i32
          %dma_start3A_187 = tpu.memref_slice %arg18[%dma_start3A_185, %dma_start3A_186] : memref<512x128xf32, #tpu.memory_space<vmem_shared>> -> memref<512x128xf32, #tpu.memory_space<vmem_shared>>
          tpu.enqueue_indirect_dma source(%dma_start3A_181 : memref<128x128xf32, #tpu.memory_space<vmem>>) target(%dma_start3A_187 : memref<512x128xf32, #tpu.memory_space<vmem_shared>>) offsets(%dma_start3A_184 : memref<128xi32, #tpu.memory_space<vmem>>) semaphore(%run_scoped3A_178 : memref<!tpu.dma_semaphore, #tpu.memory_space<semaphore_mem>>) {add = true}
          %dma_wait3A_188 = arith.constant 128 : i32
          %dma_wait3A_189 = arith.constant 0 : i32
          %dma_wait3A_190 = tpu.memref_slice %arg8[%dma_wait3A_188, %dma_wait3A_189] : memref<256x128xf32, #tpu.memory_space<vmem>> -> memref<128x128xf32, #tpu.memory_space<vmem>>
          %dma_wait3A_191 = arith.constant 0 : i32
          %dma_wait3A_192 = tpu.memref_slice %arg10[%run_scoped3A_129, %dma_wait3A_191] : memref<2x128xi32, #tpu.memory_space<vmem>> -> memref<1x128xi32, #tpu.memory_space<vmem>>
          %dma_wait3A_193 = tpu.memref_squeeze %dma_wait3A_192 : memref<1x128xi32, #tpu.memory_space<vmem>> -> memref<128xi32, #tpu.memory_space<vmem>>
          %dma_wait3A_194 = arith.constant 0 : i32
          %dma_wait3A_195 = arith.constant 0 : i32
          %dma_wait3A_196 = tpu.memref_slice %arg18[%dma_wait3A_194, %dma_wait3A_195] : memref<512x128xf32, #tpu.memory_space<vmem_shared>> -> memref<512x128xf32, #tpu.memory_space<vmem_shared>>
          tpu.wait_indirect_dma semaphore(%run_scoped3A_178 : memref<!tpu.dma_semaphore, #tpu.memory_space<semaphore_mem>>) src(%dma_wait3A_190 : memref<128x128xf32, #tpu.memory_space<vmem>>) dst(%dma_wait3A_196 : memref<512x128xf32, #tpu.memory_space<vmem_shared>>)
          tpu.yield
        }) : () -> ()
        %add3A_130 = arith.constant 2 : i32
        %add3A_131 = arith.addi %add3A_101, %add3A_130 : i32
        %lt3A_132 = arith.constant 10 : i32
        %lt3A_133 = arith.cmpi slt, %add3A_131, %lt3A_132 : i32
        %convert_element_type3A_134 = arith.extui %lt3A_133 : i1 to i32
        %cond3A_135 = arith.constant 0 : i32
        %cond3A_136 = arith.cmpi ne, %convert_element_type3A_134, %cond3A_135 : i32
        scf.if %cond3A_136 {
          %add3A_178 = arith.constant 2 : i32
          %add3A_179 = arith.addi %add3A_101, %add3A_178 : i32
          %mul3A_180 = arith.constant 30 : i32
          %mul3A_181 = arith.muli %mul3A_180, %add3A_179 : i32
          %add3A_182 = arith.addi %sub3A_27, %mul3A_181 : i32
          %mul3A_183 = arith.constant 256 : i32
          %mul3A_184 = arith.muli %add3A_182, %mul3A_183 : i32
          %dma_start3A_185 = arith.constant 0 : i32
          %dma_start3A_186 = arith.constant 0 : i32
          %dma_start3A_187 = tpu.memref_slice %arg10[%dma_start3A_185, %dma_start3A_186] : memref<2x128xi32, #tpu.memory_space<vmem>> -> memref<1x128xi32, #tpu.memory_space<vmem>>
          %dma_start3A_188 = tpu.memref_squeeze %dma_start3A_187 : memref<1x128xi32, #tpu.memory_space<vmem>> -> memref<128xi32, #tpu.memory_space<vmem>>
          %dma_start3A_189 = tpu.memref_slice %arg3[%mul3A_184] : memref<100000xi32, #tpu.memory_space<hbm>> -> memref<128xi32, #tpu.memory_space<hbm>>
          %dma_start3A_190 = arith.constant 0 : i32
          %dma_start3A_191 = tpu.memref_slice %arg10[%dma_start3A_185, %dma_start3A_190] : memref<2x128xi32, #tpu.memory_space<vmem>> -> memref<1x128xi32, #tpu.memory_space<vmem>>
          %dma_start3A_192 = tpu.memref_squeeze %dma_start3A_191 : memref<1x128xi32, #tpu.memory_space<vmem>> -> memref<128xi32, #tpu.memory_space<vmem>>
          %dma_start3A_193 = tpu.memref_slice %arg3[%mul3A_184] : memref<100000xi32, #tpu.memory_space<hbm>> -> memref<128xi32, #tpu.memory_space<hbm>>
          tpu.enqueue_dma source(%dma_start3A_193 : memref<128xi32, #tpu.memory_space<hbm>>) target(%dma_start3A_192 : memref<128xi32, #tpu.memory_space<vmem>>) target_semaphore(%arg16 : memref<!tpu.dma_semaphore, #tpu.memory_space<semaphore_mem>>)
          %mul3A_194 = arith.constant 256 : i32
          %mul3A_195 = arith.muli %add3A_182, %mul3A_194 : i32
          %add3A_196 = arith.constant 128 : i32
          %add3A_197 = arith.addi %mul3A_195, %add3A_196 : i32
          %dma_start3A_198 = arith.constant 1 : i32
          %dma_start3A_199 = arith.constant 0 : i32
          %dma_start3A_200 = tpu.memref_slice %arg10[%dma_start3A_198, %dma_start3A_199] : memref<2x128xi32, #tpu.memory_space<vmem>> -> memref<1x128xi32, #tpu.memory_space<vmem>>
          %dma_start3A_201 = tpu.memref_squeeze %dma_start3A_200 : memref<1x128xi32, #tpu.memory_space<vmem>> -> memref<128xi32, #tpu.memory_space<vmem>>
          %dma_start3A_202 = tpu.memref_slice %arg3[%add3A_197] : memref<100000xi32, #tpu.memory_space<hbm>> -> memref<128xi32, #tpu.memory_space<hbm>>
          %dma_start3A_203 = arith.constant 0 : i32
          %dma_start3A_204 = tpu.memref_slice %arg10[%dma_start3A_198, %dma_start3A_203] : memref<2x128xi32, #tpu.memory_space<vmem>> -> memref<1x128xi32, #tpu.memory_space<vmem>>
          %dma_start3A_205 = tpu.memref_squeeze %dma_start3A_204 : memref<1x128xi32, #tpu.memory_space<vmem>> -> memref<128xi32, #tpu.memory_space<vmem>>
          %dma_start3A_206 = tpu.memref_slice %arg3[%add3A_197] : memref<100000xi32, #tpu.memory_space<hbm>> -> memref<128xi32, #tpu.memory_space<hbm>>
          tpu.enqueue_dma source(%dma_start3A_206 : memref<128xi32, #tpu.memory_space<hbm>>) target(%dma_start3A_205 : memref<128xi32, #tpu.memory_space<vmem>>) target_semaphore(%arg16 : memref<!tpu.dma_semaphore, #tpu.memory_space<semaphore_mem>>)
          %mul3A_207 = arith.constant 256 : i32
          %mul3A_208 = arith.muli %add3A_182, %mul3A_207 : i32
          %dma_start3A_209 = arith.constant 0 : i32
          %dma_start3A_210 = tpu.memref_slice %arg2[%mul3A_208, %dma_start3A_209] : memref<100000x128xf32, #tpu.memory_space<hbm>> -> memref<256x128xf32, #tpu.memory_space<hbm>>
          %dma_start3A_211 = arith.constant 0 : i32
          %dma_start3A_212 = tpu.memref_slice %arg2[%mul3A_208, %dma_start3A_211] : memref<100000x128xf32, #tpu.memory_space<hbm>> -> memref<256x128xf32, #tpu.memory_space<hbm>>
          tpu.enqueue_dma source(%dma_start3A_212 : memref<256x128xf32, #tpu.memory_space<hbm>>) target(%arg8 : memref<256x128xf32, #tpu.memory_space<vmem>>) target_semaphore(%arg14 : memref<!tpu.dma_semaphore, #tpu.memory_space<semaphore_mem>>)
        } else {
        }
        %mul3A_137 = arith.constant 2 : i32
        %mul3A_138 = arith.muli %mul3A_137, %scan3A_97 : i32
        %add3A_139 = arith.constant 1 : i32
        %add3A_140 = arith.addi %mul3A_138, %add3A_139 : i32
        %dma_wait3A_141 = arith.constant 0 : i32
        %dma_wait3A_142 = arith.constant 0 : i32
        %dma_wait3A_143 = tpu.memref_slice %arg11[%dma_wait3A_141, %dma_wait3A_142] : memref<2x128xi32, #tpu.memory_space<vmem>> -> memref<1x128xi32, #tpu.memory_space<vmem>>
        %dma_wait3A_144 = tpu.memref_squeeze %dma_wait3A_143 : memref<1x128xi32, #tpu.memory_space<vmem>> -> memref<128xi32, #tpu.memory_space<vmem>>
        %dma_wait3A_145 = arith.constant 0 : i32
        %dma_wait3A_146 = tpu.memref_slice %arg3[%dma_wait3A_145] : memref<100000xi32, #tpu.memory_space<hbm>> -> memref<128xi32, #tpu.memory_space<hbm>>
        %dma_wait3A_147 = arith.constant 0 : i32
        %dma_wait3A_148 = tpu.memref_slice %arg11[%dma_wait3A_141, %dma_wait3A_147] : memref<2x128xi32, #tpu.memory_space<vmem>> -> memref<1x128xi32, #tpu.memory_space<vmem>>
        %dma_wait3A_149 = tpu.memref_squeeze %dma_wait3A_148 : memref<1x128xi32, #tpu.memory_space<vmem>> -> memref<128xi32, #tpu.memory_space<vmem>>
        %dma_wait3A_150 = arith.constant 0 : i32
        %dma_wait3A_151 = tpu.memref_slice %arg3[%dma_wait3A_150] : memref<100000xi32, #tpu.memory_space<hbm>> -> memref<128xi32, #tpu.memory_space<hbm>>
        tpu.wait_dma2 semaphore(%arg17 : memref<!tpu.dma_semaphore, #tpu.memory_space<semaphore_mem>>) src(%dma_wait3A_151 : memref<128xi32, #tpu.memory_space<hbm>>) dst(%dma_wait3A_149 : memref<128xi32, #tpu.memory_space<vmem>>)
        %dma_wait3A_152 = arith.constant 0 : i32
        %dma_wait3A_153 = arith.constant 0 : i32
        %dma_wait3A_154 = tpu.memref_slice %arg11[%dma_wait3A_152, %dma_wait3A_153] : memref<2x128xi32, #tpu.memory_space<vmem>> -> memref<1x128xi32, #tpu.memory_space<vmem>>
        %dma_wait3A_155 = tpu.memref_squeeze %dma_wait3A_154 : memref<1x128xi32, #tpu.memory_space<vmem>> -> memref<128xi32, #tpu.memory_space<vmem>>
        %dma_wait3A_156 = arith.constant 0 : i32
        %dma_wait3A_157 = tpu.memref_slice %arg3[%dma_wait3A_156] : memref<100000xi32, #tpu.memory_space<hbm>> -> memref<128xi32, #tpu.memory_space<hbm>>
        %dma_wait3A_158 = arith.constant 0 : i32
        %dma_wait3A_159 = tpu.memref_slice %arg11[%dma_wait3A_152, %dma_wait3A_158] : memref<2x128xi32, #tpu.memory_space<vmem>> -> memref<1x128xi32, #tpu.memory_space<vmem>>
        %dma_wait3A_160 = tpu.memref_squeeze %dma_wait3A_159 : memref<1x128xi32, #tpu.memory_space<vmem>> -> memref<128xi32, #tpu.memory_space<vmem>>
        %dma_wait3A_161 = arith.constant 0 : i32
        %dma_wait3A_162 = tpu.memref_slice %arg3[%dma_wait3A_161] : memref<100000xi32, #tpu.memory_space<hbm>> -> memref<128xi32, #tpu.memory_space<hbm>>
        tpu.wait_dma2 semaphore(%arg17 : memref<!tpu.dma_semaphore, #tpu.memory_space<semaphore_mem>>) src(%dma_wait3A_162 : memref<128xi32, #tpu.memory_space<hbm>>) dst(%dma_wait3A_160 : memref<128xi32, #tpu.memory_space<vmem>>)
        %dma_wait3A_163 = arith.constant 0 : i32
        %dma_wait3A_164 = arith.constant 0 : i32
        %dma_wait3A_165 = tpu.memref_slice %arg2[%dma_wait3A_163, %dma_wait3A_164] : memref<100000x128xf32, #tpu.memory_space<hbm>> -> memref<256x128xf32, #tpu.memory_space<hbm>>
        %dma_wait3A_166 = arith.constant 0 : i32
        %dma_wait3A_167 = arith.constant 0 : i32
        %dma_wait3A_168 = tpu.memref_slice %arg2[%dma_wait3A_166, %dma_wait3A_167] : memref<100000x128xf32, #tpu.memory_space<hbm>> -> memref<256x128xf32, #tpu.memory_space<hbm>>
        tpu.wait_dma2 semaphore(%arg15 : memref<!tpu.dma_semaphore, #tpu.memory_space<semaphore_mem>>) src(%dma_wait3A_168 : memref<256x128xf32, #tpu.memory_space<hbm>>) dst(%arg9 : memref<256x128xf32, #tpu.memory_space<vmem>>)
        %run_scoped3A_169 = arith.constant 0 : i32
        "tpu.region"() ({
          %run_scoped3A_178 = tpu.sem_alloc : memref<!tpu.dma_semaphore, #tpu.memory_space<semaphore_mem>>
          %dma_start3A_179 = arith.constant 0 : i32
          %dma_start3A_180 = arith.constant 0 : i32
          %dma_start3A_181 = tpu.memref_slice %arg9[%dma_start3A_179, %dma_start3A_180] : memref<256x128xf32, #tpu.memory_space<vmem>> -> memref<128x128xf32, #tpu.memory_space<vmem>>
          %dma_start3A_182 = arith.constant 0 : i32
          %dma_start3A_183 = tpu.memref_slice %arg11[%run_scoped3A_169, %dma_start3A_182] : memref<2x128xi32, #tpu.memory_space<vmem>> -> memref<1x128xi32, #tpu.memory_space<vmem>>
          %dma_start3A_184 = tpu.memref_squeeze %dma_start3A_183 : memref<1x128xi32, #tpu.memory_space<vmem>> -> memref<128xi32, #tpu.memory_space<vmem>>
          %dma_start3A_185 = arith.constant 0 : i32
          %dma_start3A_186 = arith.constant 0 : i32
          %dma_start3A_187 = tpu.memref_slice %arg18[%dma_start3A_185, %dma_start3A_186] : memref<512x128xf32, #tpu.memory_space<vmem_shared>> -> memref<512x128xf32, #tpu.memory_space<vmem_shared>>
          tpu.enqueue_indirect_dma source(%dma_start3A_181 : memref<128x128xf32, #tpu.memory_space<vmem>>) target(%dma_start3A_187 : memref<512x128xf32, #tpu.memory_space<vmem_shared>>) offsets(%dma_start3A_184 : memref<128xi32, #tpu.memory_space<vmem>>) semaphore(%run_scoped3A_178 : memref<!tpu.dma_semaphore, #tpu.memory_space<semaphore_mem>>) {add = true}
          %dma_wait3A_188 = arith.constant 0 : i32
          %dma_wait3A_189 = arith.constant 0 : i32
          %dma_wait3A_190 = tpu.memref_slice %arg9[%dma_wait3A_188, %dma_wait3A_189] : memref<256x128xf32, #tpu.memory_space<vmem>> -> memref<128x128xf32, #tpu.memory_space<vmem>>
          %dma_wait3A_191 = arith.constant 0 : i32
          %dma_wait3A_192 = tpu.memref_slice %arg11[%run_scoped3A_169, %dma_wait3A_191] : memref<2x128xi32, #tpu.memory_space<vmem>> -> memref<1x128xi32, #tpu.memory_space<vmem>>
          %dma_wait3A_193 = tpu.memref_squeeze %dma_wait3A_192 : memref<1x128xi32, #tpu.memory_space<vmem>> -> memref<128xi32, #tpu.memory_space<vmem>>
          %dma_wait3A_194 = arith.constant 0 : i32
          %dma_wait3A_195 = arith.constant 0 : i32
          %dma_wait3A_196 = tpu.memref_slice %arg18[%dma_wait3A_194, %dma_wait3A_195] : memref<512x128xf32, #tpu.memory_space<vmem_shared>> -> memref<512x128xf32, #tpu.memory_space<vmem_shared>>
          tpu.wait_indirect_dma semaphore(%run_scoped3A_178 : memref<!tpu.dma_semaphore, #tpu.memory_space<semaphore_mem>>) src(%dma_wait3A_190 : memref<128x128xf32, #tpu.memory_space<vmem>>) dst(%dma_wait3A_196 : memref<512x128xf32, #tpu.memory_space<vmem_shared>>)
          tpu.yield
        }) : () -> ()
        %run_scoped3A_170 = arith.constant 1 : i32
        "tpu.region"() ({
          %run_scoped3A_178 = tpu.sem_alloc : memref<!tpu.dma_semaphore, #tpu.memory_space<semaphore_mem>>
          %dma_start3A_179 = arith.constant 128 : i32
          %dma_start3A_180 = arith.constant 0 : i32
          %dma_start3A_181 = tpu.memref_slice %arg9[%dma_start3A_179, %dma_start3A_180] : memref<256x128xf32, #tpu.memory_space<vmem>> -> memref<128x128xf32, #tpu.memory_space<vmem>>
          %dma_start3A_182 = arith.constant 0 : i32
          %dma_start3A_183 = tpu.memref_slice %arg11[%run_scoped3A_170, %dma_start3A_182] : memref<2x128xi32, #tpu.memory_space<vmem>> -> memref<1x128xi32, #tpu.memory_space<vmem>>
          %dma_start3A_184 = tpu.memref_squeeze %dma_start3A_183 : memref<1x128xi32, #tpu.memory_space<vmem>> -> memref<128xi32, #tpu.memory_space<vmem>>
          %dma_start3A_185 = arith.constant 0 : i32
          %dma_start3A_186 = arith.constant 0 : i32
          %dma_start3A_187 = tpu.memref_slice %arg18[%dma_start3A_185, %dma_start3A_186] : memref<512x128xf32, #tpu.memory_space<vmem_shared>> -> memref<512x128xf32, #tpu.memory_space<vmem_shared>>
          tpu.enqueue_indirect_dma source(%dma_start3A_181 : memref<128x128xf32, #tpu.memory_space<vmem>>) target(%dma_start3A_187 : memref<512x128xf32, #tpu.memory_space<vmem_shared>>) offsets(%dma_start3A_184 : memref<128xi32, #tpu.memory_space<vmem>>) semaphore(%run_scoped3A_178 : memref<!tpu.dma_semaphore, #tpu.memory_space<semaphore_mem>>) {add = true}
          %dma_wait3A_188 = arith.constant 128 : i32
          %dma_wait3A_189 = arith.constant 0 : i32
          %dma_wait3A_190 = tpu.memref_slice %arg9[%dma_wait3A_188, %dma_wait3A_189] : memref<256x128xf32, #tpu.memory_space<vmem>> -> memref<128x128xf32, #tpu.memory_space<vmem>>
          %dma_wait3A_191 = arith.constant 0 : i32
          %dma_wait3A_192 = tpu.memref_slice %arg11[%run_scoped3A_170, %dma_wait3A_191] : memref<2x128xi32, #tpu.memory_space<vmem>> -> memref<1x128xi32, #tpu.memory_space<vmem>>
          %dma_wait3A_193 = tpu.memref_squeeze %dma_wait3A_192 : memref<1x128xi32, #tpu.memory_space<vmem>> -> memref<128xi32, #tpu.memory_space<vmem>>
          %dma_wait3A_194 = arith.constant 0 : i32
          %dma_wait3A_195 = arith.constant 0 : i32
          %dma_wait3A_196 = tpu.memref_slice %arg18[%dma_wait3A_194, %dma_wait3A_195] : memref<512x128xf32, #tpu.memory_space<vmem_shared>> -> memref<512x128xf32, #tpu.memory_space<vmem_shared>>
          tpu.wait_indirect_dma semaphore(%run_scoped3A_178 : memref<!tpu.dma_semaphore, #tpu.memory_space<semaphore_mem>>) src(%dma_wait3A_190 : memref<128x128xf32, #tpu.memory_space<vmem>>) dst(%dma_wait3A_196 : memref<512x128xf32, #tpu.memory_space<vmem_shared>>)
          tpu.yield
        }) : () -> ()
        %add3A_171 = arith.constant 2 : i32
        %add3A_172 = arith.addi %add3A_140, %add3A_171 : i32
        %lt3A_173 = arith.constant 10 : i32
        %lt3A_174 = arith.cmpi slt, %add3A_172, %lt3A_173 : i32
        %convert_element_type3A_175 = arith.extui %lt3A_174 : i1 to i32
        %cond3A_176 = arith.constant 0 : i32
        %cond3A_177 = arith.cmpi ne, %convert_element_type3A_175, %cond3A_176 : i32
        scf.if %cond3A_177 {
          %add3A_178 = arith.constant 2 : i32
          %add3A_179 = arith.addi %add3A_140, %add3A_178 : i32
          %mul3A_180 = arith.constant 30 : i32
          %mul3A_181 = arith.muli %mul3A_180, %add3A_179 : i32
          %add3A_182 = arith.addi %sub3A_27, %mul3A_181 : i32
          %mul3A_183 = arith.constant 256 : i32
          %mul3A_184 = arith.muli %add3A_182, %mul3A_183 : i32
          %dma_start3A_185 = arith.constant 0 : i32
          %dma_start3A_186 = arith.constant 0 : i32
          %dma_start3A_187 = tpu.memref_slice %arg11[%dma_start3A_185, %dma_start3A_186] : memref<2x128xi32, #tpu.memory_space<vmem>> -> memref<1x128xi32, #tpu.memory_space<vmem>>
          %dma_start3A_188 = tpu.memref_squeeze %dma_start3A_187 : memref<1x128xi32, #tpu.memory_space<vmem>> -> memref<128xi32, #tpu.memory_space<vmem>>
          %dma_start3A_189 = tpu.memref_slice %arg3[%mul3A_184] : memref<100000xi32, #tpu.memory_space<hbm>> -> memref<128xi32, #tpu.memory_space<hbm>>
          %dma_start3A_190 = arith.constant 0 : i32
          %dma_start3A_191 = tpu.memref_slice %arg11[%dma_start3A_185, %dma_start3A_190] : memref<2x128xi32, #tpu.memory_space<vmem>> -> memref<1x128xi32, #tpu.memory_space<vmem>>
          %dma_start3A_192 = tpu.memref_squeeze %dma_start3A_191 : memref<1x128xi32, #tpu.memory_space<vmem>> -> memref<128xi32, #tpu.memory_space<vmem>>
          %dma_start3A_193 = tpu.memref_slice %arg3[%mul3A_184] : memref<100000xi32, #tpu.memory_space<hbm>> -> memref<128xi32, #tpu.memory_space<hbm>>
          tpu.enqueue_dma source(%dma_start3A_193 : memref<128xi32, #tpu.memory_space<hbm>>) target(%dma_start3A_192 : memref<128xi32, #tpu.memory_space<vmem>>) target_semaphore(%arg17 : memref<!tpu.dma_semaphore, #tpu.memory_space<semaphore_mem>>)
          %mul3A_194 = arith.constant 256 : i32
          %mul3A_195 = arith.muli %add3A_182, %mul3A_194 : i32
          %add3A_196 = arith.constant 128 : i32
          %add3A_197 = arith.addi %mul3A_195, %add3A_196 : i32
          %dma_start3A_198 = arith.constant 1 : i32
          %dma_start3A_199 = arith.constant 0 : i32
          %dma_start3A_200 = tpu.memref_slice %arg11[%dma_start3A_198, %dma_start3A_199] : memref<2x128xi32, #tpu.memory_space<vmem>> -> memref<1x128xi32, #tpu.memory_space<vmem>>
          %dma_start3A_201 = tpu.memref_squeeze %dma_start3A_200 : memref<1x128xi32, #tpu.memory_space<vmem>> -> memref<128xi32, #tpu.memory_space<vmem>>
          %dma_start3A_202 = tpu.memref_slice %arg3[%add3A_197] : memref<100000xi32, #tpu.memory_space<hbm>> -> memref<128xi32, #tpu.memory_space<hbm>>
          %dma_start3A_203 = arith.constant 0 : i32
          %dma_start3A_204 = tpu.memref_slice %arg11[%dma_start3A_198, %dma_start3A_203] : memref<2x128xi32, #tpu.memory_space<vmem>> -> memref<1x128xi32, #tpu.memory_space<vmem>>
          %dma_start3A_205 = tpu.memref_squeeze %dma_start3A_204 : memref<1x128xi32, #tpu.memory_space<vmem>> -> memref<128xi32, #tpu.memory_space<vmem>>
          %dma_start3A_206 = tpu.memref_slice %arg3[%add3A_197] : memref<100000xi32, #tpu.memory_space<hbm>> -> memref<128xi32, #tpu.memory_space<hbm>>
          tpu.enqueue_dma source(%dma_start3A_206 : memref<128xi32, #tpu.memory_space<hbm>>) target(%dma_start3A_205 : memref<128xi32, #tpu.memory_space<vmem>>) target_semaphore(%arg17 : memref<!tpu.dma_semaphore, #tpu.memory_space<semaphore_mem>>)
          %mul3A_207 = arith.constant 256 : i32
          %mul3A_208 = arith.muli %add3A_182, %mul3A_207 : i32
          %dma_start3A_209 = arith.constant 0 : i32
          %dma_start3A_210 = tpu.memref_slice %arg2[%mul3A_208, %dma_start3A_209] : memref<100000x128xf32, #tpu.memory_space<hbm>> -> memref<256x128xf32, #tpu.memory_space<hbm>>
          %dma_start3A_211 = arith.constant 0 : i32
          %dma_start3A_212 = tpu.memref_slice %arg2[%mul3A_208, %dma_start3A_211] : memref<100000x128xf32, #tpu.memory_space<hbm>> -> memref<256x128xf32, #tpu.memory_space<hbm>>
          tpu.enqueue_dma source(%dma_start3A_212 : memref<256x128xf32, #tpu.memory_space<hbm>>) target(%arg9 : memref<256x128xf32, #tpu.memory_space<vmem>>) target_semaphore(%arg15 : memref<!tpu.dma_semaphore, #tpu.memory_space<semaphore_mem>>)
        } else {
        }
      }
      %scan3A_96 = arith.constant 5 : i32
    } else {
    }
    %barrier3A_15 = arith.constant 0 : index
    tpu.barrier barrier_id(%barrier3A_15)
    %mul3A_16 = arith.constant 32 : i32
    %mul3A_17 = arith.muli %arg1, %mul3A_16 : i32
    %eq3A = arith.constant 0 : i32
    %eq3A_18 = arith.cmpi eq, %arg0, %eq3A : i32
    %convert_element_type3A_19 = arith.extui %eq3A_18 : i1 to i32
    %cond3A_20 = arith.constant 0 : i32
    %cond3A_21 = arith.cmpi ne, %convert_element_type3A_19, %cond3A_20 : i32
    scf.if %cond3A_21 {
      "tpu.region"() ({
        %run_scoped3A = tpu.sem_alloc : memref<!tpu.dma_semaphore, #tpu.memory_space<semaphore_mem>>
        %dma_start3A = arith.constant 0 : i32
        %dma_start3A_27 = tpu.memref_slice %arg5[%mul3A_17, %dma_start3A] : memref<512x128xf32, #tpu.memory_space<hbm>> -> memref<32x128xf32, #tpu.memory_space<hbm>>
        %dma_start3A_28 = arith.constant 0 : i32
        %dma_start3A_29 = tpu.memref_slice %arg18[%mul3A_17, %dma_start3A_28] : memref<512x128xf32, #tpu.memory_space<vmem_shared>> -> memref<32x128xf32, #tpu.memory_space<vmem_shared>>
        tpu.enqueue_dma source(%dma_start3A_29 : memref<32x128xf32, #tpu.memory_space<vmem_shared>>) target(%dma_start3A_27 : memref<32x128xf32, #tpu.memory_space<hbm>>) target_semaphore(%run_scoped3A : memref<!tpu.dma_semaphore, #tpu.memory_space<semaphore_mem>>)
        %dma_wait3A = arith.constant 0 : i32
        %dma_wait3A_30 = tpu.memref_slice %arg5[%mul3A_17, %dma_wait3A] : memref<512x128xf32, #tpu.memory_space<hbm>> -> memref<32x128xf32, #tpu.memory_space<hbm>>
        %dma_wait3A_31 = arith.constant 0 : i32
        %dma_wait3A_32 = tpu.memref_slice %arg18[%mul3A_17, %dma_wait3A_31] : memref<512x128xf32, #tpu.memory_space<vmem_shared>> -> memref<32x128xf32, #tpu.memory_space<vmem_shared>>
        tpu.wait_dma2 semaphore(%run_scoped3A : memref<!tpu.dma_semaphore, #tpu.memory_space<semaphore_mem>>) src(%dma_wait3A_32 : memref<32x128xf32, #tpu.memory_space<vmem_shared>>) dst(%dma_wait3A_30 : memref<32x128xf32, #tpu.memory_space<hbm>>)
        tpu.yield
      }) : () -> ()
    } else {
    }
    %eq3A_22 = arith.constant 1 : i32
    %eq3A_23 = arith.cmpi eq, %arg0, %eq3A_22 : i32
    %convert_element_type3A_24 = arith.extui %eq3A_23 : i1 to i32
    %cond3A_25 = arith.constant 0 : i32
    %cond3A_26 = arith.cmpi ne, %convert_element_type3A_24, %cond3A_25 : i32
    scf.if %cond3A_26 {
      "tpu.region"() ({
        %run_scoped3A = tpu.sem_alloc : memref<!tpu.dma_semaphore, #tpu.memory_space<semaphore_mem>>
        %dma_start3A = arith.constant 0 : i32
        %dma_start3A_27 = tpu.memref_slice %arg6[%mul3A_17, %dma_start3A] : memref<512x128xf32, #tpu.memory_space<hbm>> -> memref<32x128xf32, #tpu.memory_space<hbm>>
        %dma_start3A_28 = arith.constant 0 : i32
        %dma_start3A_29 = tpu.memref_slice %arg18[%mul3A_17, %dma_start3A_28] : memref<512x128xf32, #tpu.memory_space<vmem_shared>> -> memref<32x128xf32, #tpu.memory_space<vmem_shared>>
        tpu.enqueue_dma source(%dma_start3A_29 : memref<32x128xf32, #tpu.memory_space<vmem_shared>>) target(%dma_start3A_27 : memref<32x128xf32, #tpu.memory_space<hbm>>) target_semaphore(%run_scoped3A : memref<!tpu.dma_semaphore, #tpu.memory_space<semaphore_mem>>)
        %dma_wait3A = arith.constant 0 : i32
        %dma_wait3A_30 = tpu.memref_slice %arg6[%mul3A_17, %dma_wait3A] : memref<512x128xf32, #tpu.memory_space<hbm>> -> memref<32x128xf32, #tpu.memory_space<hbm>>
        %dma_wait3A_31 = arith.constant 0 : i32
        %dma_wait3A_32 = tpu.memref_slice %arg18[%mul3A_17, %dma_wait3A_31] : memref<512x128xf32, #tpu.memory_space<vmem_shared>> -> memref<32x128xf32, #tpu.memory_space<vmem_shared>>
        tpu.wait_dma2 semaphore(%run_scoped3A : memref<!tpu.dma_semaphore, #tpu.memory_space<semaphore_mem>>) src(%dma_wait3A_32 : memref<32x128xf32, #tpu.memory_space<vmem_shared>>) dst(%dma_wait3A_30 : memref<32x128xf32, #tpu.memory_space<hbm>>)
        tpu.yield
      }) : () -> ()
    } else {
    }
    return
  }
}

module attributes {stable_mosaic.version = 14 : i64} {
  func.func @_tc_partial_body(%arg0: i32, %arg1: memref<800x128xf32, #tpu.memory_space<vmem>>, %arg2: memref<1x1x800xi32, #tpu.memory_space<vmem>>, %arg3: memref<512x128xf32, #tpu.memory_space<vmem>>) attributes {dimension_semantics = [#tpu.dimension_semantics<arbitrary>], iteration_bounds = array<i64: 29>, scalar_prefetch = 0 : i64, scratch_operands = 0 : i64, tpu.core_type = #tpu.core_type<tc>, window_params = [{transform_indices = @transform_0, window_bounds = array<i64: 800, 128>}, {transform_indices = @transform_1, window_bounds = array<i64: 1, 1, 800>}, {pipeline_mode = #tpu.pipeline_mode<synchronous>, transform_indices = @transform_2, window_bounds = array<i64: 512, 128>}]} {
    %eq3A = arith.constant 0 : i32
    %eq3A_0 = arith.cmpi eq, %arg0, %eq3A : i32
    %convert_element_type3A = arith.extui %eq3A_0 : i1 to i32
    %cond3A = arith.constant 0 : i32
    %cond3A_1 = arith.cmpi ne, %convert_element_type3A, %cond3A : i32
    scf.if %cond3A_1 {
      %broadcast_in_dim3A_20 = arith.constant 0.000000e+00 : f32
      %broadcast_in_dim3A_21 = vector.broadcast %broadcast_in_dim3A_20 : f32 to vector<512x128xf32>
      %swap3A_22 = arith.constant 0 : index
      %swap3A_23 = arith.constant 0 : index
      %swap3A_24 = vector.load %arg3[%swap3A_22, %swap3A_23] : memref<512x128xf32, #tpu.memory_space<vmem>>, vector<512x128xf32>
      tpu.vector_store %arg3[%swap3A_22, %swap3A_23], %broadcast_in_dim3A_21 {strides = array<i32>} : memref<512x128xf32, #tpu.memory_space<vmem>>, vector<512x128xf32>,
    } else {
    }
    %get3A = arith.constant 0 : index
    %get3A_2 = arith.constant 0 : index
    %get3A_3 = arith.constant 0 : index
    %get3A_4 = vector.load %arg2[%get3A, %get3A_2, %get3A_3] : memref<1x1x800xi32, #tpu.memory_space<vmem>>, vector<1x1x800xi32>
    %get3A_5 = vector.shape_cast %get3A_4 : vector<1x1x800xi32> to vector<800xi32>
    %iota3A = tpu.iota {dimensions = array<i32: 0>} : vector<512x800xi32>
    %broadcast_in_dim3A = vector.shape_cast %get3A_5 : vector<800xi32> to vector<1x800xi32>
    %eq3A_6 = vector.broadcast %broadcast_in_dim3A : vector<1x800xi32> to vector<512x800xi32>
    %eq3A_7 = arith.cmpi eq, %iota3A, %eq3A_6 : vector<512x800xi32>
    %jit3A = arith.constant 1.000000e+00 : f32
    %jit3A_8 = arith.constant 0.000000e+00 : f32
    %broadcast_in_dim3A_9 = vector.broadcast %jit3A : f32 to vector<512x800xf32>
    %broadcast_in_dim3A_10 = vector.broadcast %jit3A_8 : f32 to vector<512x800xf32>
    %select_n3A = arith.select %eq3A_7, %broadcast_in_dim3A_9, %broadcast_in_dim3A_10 : vector<512x800xi1>, vector<512x800xf32>
    %get3A_11 = arith.constant 0 : index
    %get3A_12 = arith.constant 0 : index
    %get3A_13 = vector.load %arg3[%get3A_11, %get3A_12] : memref<512x128xf32, #tpu.memory_space<vmem>>, vector<512x128xf32>
    %get3A_14 = arith.constant 0 : index
    %get3A_15 = arith.constant 0 : index
    %get3A_16 = vector.load %arg1[%get3A_14, %get3A_15] : memref<800x128xf32, #tpu.memory_space<vmem>>, vector<800x128xf32>
    %dot_general3A = arith.constant dense<0.000000e+00> : vector<512x128xf32>
    %dot_general3A_17 = tpu.matmul %select_n3A, %get3A_16, %dot_general3A {dimension_numbers = #tpu.dot_dimension_numbers<[1], [0], [0], [1], [0, 0, 1, 1], [], []>, transpose_lhs_hint = false} : vector<512x800xf32>, vector<800x128xf32>, vector<512x128xf32> -> vector<512x128xf32>
    %add3A = arith.addf %get3A_13, %dot_general3A_17 : vector<512x128xf32>
    %swap3A = arith.constant 0 : index
    %swap3A_18 = arith.constant 0 : index
    %swap3A_19 = vector.load %arg3[%swap3A, %swap3A_18] : memref<512x128xf32, #tpu.memory_space<vmem>>, vector<512x128xf32>
    tpu.vector_store %arg3[%swap3A, %swap3A_18], %add3A {strides = array<i32>} : memref<512x128xf32, #tpu.memory_space<vmem>>, vector<512x128xf32>,
    return
  }
  func.func @transform_0(%arg0: i32) -> (i32, i32) {
    %add3A = arith.constant 96 : i32
    %add3A_0 = arith.addi %add3A, %arg0 : i32
    %c0_i32 = arith.constant 0 : i32
    %c0_i32_1 = arith.constant 0 : i32
    return %add3A_0, %c0_i32 : i32, i32
  }
  func.func @transform_1(%arg0: i32) -> (i32, i32, i32) {
    %add3A = arith.constant 96 : i32
    %add3A_0 = arith.addi %add3A, %arg0 : i32
    %c0_i32 = arith.constant 0 : i32
    %c0_i32_1 = arith.constant 0 : i32
    %c0_i32_2 = arith.constant 0 : i32
    return %add3A_0, %c0_i32, %c0_i32_1 : i32, i32, i32
  }
  func.func @transform_2(%arg0: i32) -> (i32, i32) {
    %c0_i32 = arith.constant 0 : i32
    %c0_i32_0 = arith.constant 0 : i32
    %c0_i32_1 = arith.constant 0 : i32
    return %c0_i32, %c0_i32_0 : i32, i32
  }
}

module attributes {stable_mosaic.version = 14 : i64} {
  func.func @_head_body(%arg0: memref<512x128xf32, #tpu.memory_space<vmem>>, %arg1: memref<512x128xf32, #tpu.memory_space<vmem>>, %arg2: memref<512x128xf32, #tpu.memory_space<vmem>>, %arg3: memref<512x1xf32, #tpu.memory_space<vmem>>, %arg4: memref<128x12xf32, #tpu.memory_space<vmem>>, %arg5: memref<1x12xf32, #tpu.memory_space<vmem>>, %arg6: memref<512x12xf32, #tpu.memory_space<vmem>>) attributes {dimension_semantics = [], scalar_prefetch = 0 : i64, scratch_operands = 0 : i64, tpu.core_type = #tpu.core_type<tc>} {
    %get3A = arith.constant 0 : index
    %get3A_0 = arith.constant 0 : index
    %get3A_1 = vector.load %arg0[%get3A, %get3A_0] : memref<512x128xf32, #tpu.memory_space<vmem>>, vector<512x128xf32>
    %get3A_2 = arith.constant 0 : index
    %get3A_3 = arith.constant 0 : index
    %get3A_4 = vector.load %arg1[%get3A_2, %get3A_3] : memref<512x128xf32, #tpu.memory_space<vmem>>, vector<512x128xf32>
    %add3A = arith.addf %get3A_1, %get3A_4 : vector<512x128xf32>
    %get3A_5 = arith.constant 0 : index
    %get3A_6 = arith.constant 0 : index
    %get3A_7 = vector.load %arg2[%get3A_5, %get3A_6] : memref<512x128xf32, #tpu.memory_space<vmem>>, vector<512x128xf32>
    %add3A_8 = arith.addf %add3A, %get3A_7 : vector<512x128xf32>
    %get3A_9 = arith.constant 0 : index
    %get3A_10 = arith.constant 0 : index
    %get3A_11 = vector.load %arg3[%get3A_9, %get3A_10] : memref<512x1xf32, #tpu.memory_space<vmem>>, vector<512x1xf32>
    %max3A = arith.constant 1.000000e+00 : f32
    %max3A_12 = vector.broadcast %max3A : f32 to vector<512x1xf32>
    %max3A_13 = arith.maximumf %get3A_11, %max3A_12 : vector<512x1xf32>
    %div3A = vector.broadcast %max3A_13 : vector<512x1xf32> to vector<512x128xf32>
    %div3A_14 = arith.divf %add3A_8, %div3A : vector<512x128xf32>
    %get3A_15 = arith.constant 0 : index
    %get3A_16 = arith.constant 0 : index
    %get3A_17 = vector.load %arg4[%get3A_15, %get3A_16] : memref<128x12xf32, #tpu.memory_space<vmem>>, vector<128x12xf32>
    %dot_general3A = arith.constant dense<0.000000e+00> : vector<512x12xf32>
    %dot_general3A_18 = tpu.matmul %div3A_14, %get3A_17, %dot_general3A {dimension_numbers = #tpu.dot_dimension_numbers<[1], [0], [0], [1], [0, 0, 1, 1], [], []>, transpose_lhs_hint = false} : vector<512x128xf32>, vector<128x12xf32>, vector<512x12xf32> -> vector<512x12xf32>
    %get3A_19 = arith.constant 0 : index
    %get3A_20 = arith.constant 0 : index
    %get3A_21 = vector.load %arg5[%get3A_19, %get3A_20] : memref<1x12xf32, #tpu.memory_space<vmem>>, vector<1x12xf32>
    %add3A_22 = vector.broadcast %get3A_21 : vector<1x12xf32> to vector<512x12xf32>
    %add3A_23 = arith.addf %dot_general3A_18, %add3A_22 : vector<512x12xf32>
    %swap3A = arith.constant 0 : index
    %swap3A_24 = arith.constant 0 : index
    %swap3A_25 = vector.load %arg6[%swap3A, %swap3A_24] : memref<512x12xf32, #tpu.memory_space<vmem>>, vector<512x12xf32>
    tpu.vector_store %arg6[%swap3A, %swap3A_24], %add3A_23 {strides = array<i32>} : memref<512x12xf32, #tpu.memory_space<vmem>>, vector<512x12xf32>,
    return
  }
}

</mosaic_0001>

<sc_bundles>
// kernel: kernel.5.cloned.1.call-start
scs
__scs_entry_jumppad:
0x0: {  	(pc) =	sbr.rel $0x88, $3  }
0x1: {  	(tag) =	ssettag $0x0;
	lr =	simm.s32 $0x1  }
0x2: {  	[smem:$0x3F9D] =	sst lr;
	_ =	strace $0xD0000000  }
0x3: {  	_ = 	snop  }
0x4: {  	_ = 	snop  }
0x5: {  	_ = 	snop  }
0x6: {  	_ = 	snop  }
0x7: {  	_ = 	snop  }
__scs_overlays_trampoline_lowered:
0x8: {  	[smem:$0x3FAC] =	sst s0  }
0x9: {  	[smem:$0x3FAD] =	sst s1  }
0xa: {  	[smem:$0x3FAE] =	sst s2  }
0xb: {  	[smem:$0x3FAF] =	sst s3  }
0xc: {  	[smem:$0x3FB0] =	sst s4  }
0xd: {  	[smem:$0x3FB1] =	sst s5  }
0xe: {  	[smem:$0x3FB2] =	sst s6  }
0xf: {  	[smem:$0x3FB3] =	sst s7  }
0x10: {  	[smem:$0x3FB4] =	sst s8  }
0x11: {  	[smem:$0x3FB5] =	sst s9;
	s0 =	simm.s32 @!p0 $0x0  }
0x12: {  	s1 =	sld [smem:$0x3F9B];
	s0 =	simm.s32 @p0 $0x1  }
0x13: {  	[smem:$0x3FB6] =	sst s0;
	s0 =	simm.s32 @!p1 $0x0  }
0x14: {  	s2 =	sld [smem:$0x3F9A];
	s0 =	simm.s32 @p1 $0x1  }
0x15: {  	[smem:$0x3FB7] =	sst s0;
	s0 =	simm.s32 @!p2 $0x0  }
0x16: {  	s3 =	sld [smem:$0x3FDB];
	s0 =	simm.s32 @p2 $0x1  }
0x17: {  	s4 =	simm.s32 $0x1BF5;
	[smem:$0x3FB9] =	sst s0  }
0x18: {  	s0 =	sld [smem:$0x3F9C];
	_ =	swait.ge [sflag:s4], $0x0  }
0x19: {  	s7 =	sld [smem:$0x3F9D]  }
0x1a: {  	s8 =	sadd.s32 $0xFFFFE003, lr  }
0x1b: {  	s9 =	sadd.s32 $0xFFFFFEF7, lr;
	s5 =	simm.s32 $0xFFFFFFFF;
	p2 =	slt.u32 s8, $0xFFFFF086  }
0x1c: {  	p1 =	slt.u32 s9, $0xF7A;
	s5 =	simm.s32 @!p2 $0x0  }
0x1d: {  	s5 =	simm.s32 @p1 $0x1;
	p0 =	seq.s32 s7, s2  }
0x1e: {  	s7 =	smul.u32 @!p0 $0xF7A, s2;
	p2 =	seq.s32 @!p0 s5, $0x0  }
0x1f: {  	s9 =	smul.u32 $0xF7A, s1;
	s8 =	simm.s32 @!p0 $0x1BF5;
	p2 =	por !p2, p0  }
0x20: {  	[sflag:s8] =	ssyncset.s32 @!p0 $0xFFFFF086;
	s6 =	sadd.s32 @!p0 s3, s7;
	s7 =	simm.s32 @!p0 $0x108  }
0x21: {  	s3 =	sadd.s32 s3, s9;
	s6 =	sadd.s32 @!p0 $0x88, s6;
	s7 =	simm.s32 @p2 $0x1082  }
0x22: {  	[simem:s7], [sflag:s8] =	dma.local @!p0 [hbm:s6], $0xF7A  }
0x23: {  	s9 =	sor.u32 $0xD0000000, s2;
	s6 =	simm.s32 $0x108;
	_ =	swait.ge @!p0 [sflag:s8], $0x0  }
0x24: {  	s3 =	sadd.s32 $0x88, s3;
	s6 =	simm.s32 @!p1 $0x1082;
	[sflag:s4] =	ssyncset.s32 $0xFFFFF086  }
0x25: {  	[simem:s6], [sflag:s4] =	dma.local [hbm:s3], $0xF7A  }
0x26: {  	[smem:$0x3F9D] =	sst s1;
	(tag) =	ssettag s2;
	_ =	strace s9  }
0x27: {  	s1 =	sld [smem:$0x3FAD]  }
0x28: {  	s2 =	sld [smem:$0x3FAE]  }
0x29: {  	s4 =	sld [smem:$0x3FB0]  }
0x2a: {  	p0 =	seq.s32 s5, $0x0;
	s5 =	sld [smem:$0x3FB1]  }
0x2b: {  	s6 =	sld [smem:$0x3FB2]  }
0x2c: {  	s7 =	sld [smem:$0x3FB3]  }
0x2d: {  	s3 =	simm.s32 $0x108;
	s8 =	sld [smem:$0x3FB4]  }
0x2e: {  	s3 =	simm.s32 @!p0 $0x1082;
	s9 =	sld [smem:$0x3FB5]  }
0x2f: {  	lr =	sadd.s32 s0, s3;
	s0 =	sld [smem:$0x3FAC]  }
0x30: {  	s3 =	sld [smem:$0x3FAF]  }
0x31: {  	[smem:$0x3FB8] =	sst s10  }
0x32: {  	s10 =	sld [smem:$0x3FB6];
	_ =	sdelay $0x3  }
0x33: {  	p0 =	seq.s32 s10, $0x1;
	s10 =	sld [smem:$0x3FB8];
	_ =	sdelay $0x3  }
0x34: {  	[smem:$0x3FB8] =	sst s10  }
0x35: {  	s10 =	sld [smem:$0x3FB7];
	_ =	sdelay $0x3  }
0x36: {  	p1 =	seq.s32 s10, $0x1;
	s10 =	sld [smem:$0x3FB8];
	_ =	sdelay $0x3  }
0x37: {  	[smem:$0x3FB8] =	sst s10  }
0x38: {  	s10 =	sld [smem:$0x3FB9]  }
0x39: {  	_ = 	snop;
	(pc) =	sbr.ind lr, $3  }
0x3a: {  	_ = 	snop  }
0x3b: {  	_ = 	snop  }
0x3c: {  	p2 =	seq.s32 s10, $0x1;
	s10 =	sld [smem:$0x3FB8]  }
0x3d: {  	_ =	shalt  }
0x3e: {  	_ =	shalt  }
0x3f: {  	_ =	shalt  }
0x40: {  	_ =	shalt  }
0x41: {  	_ =	shalt  }
0x42: {  	_ =	shalt  }
0x43: {  	_ =	shalt  }
0x44: {  	_ =	shalt  }
0x45: {  	_ =	shalt  }
0x46: {  	_ =	shalt  }
0x47: {  	_ =	shalt  }
0x48: {  	_ =	shalt  }
0x49: {  	_ =	shalt  }
0x4a: {  	_ =	shalt  }
0x4b: {  	_ =	shalt  }
0x4c: {  	_ =	shalt  }
0x4d: {  	_ =	shalt  }
0x4e: {  	_ =	shalt  }
0x4f: {  	_ =	shalt  }
0x50: {  	_ =	shalt  }
0x51: {  	_ =	shalt  }
0x52: {  	_ =	shalt  }
0x53: {  	_ =	shalt  }
0x54: {  	_ =	shalt  }
0x55: {  	_ =	shalt  }
0x56: {  	_ =	shalt  }
0x57: {  	_ =	shalt  }
0x58: {  	_ =	shalt  }
0x59: {  	_ =	shalt  }
0x5a: {  	_ =	shalt  }
0x5b: {  	_ =	shalt  }
0x5c: {  	_ =	shalt  }
0x5d: {  	_ =	shalt  }
0x5e: {  	_ =	shalt  }
0x5f: {  	_ =	shalt  }
0x60: {  	_ =	shalt  }
0x61: {  	_ =	shalt  }
0x62: {  	_ =	shalt  }
0x63: {  	_ =	shalt  }
0x64: {  	_ =	shalt  }
0x65: {  	_ =	shalt  }
0x66: {  	_ =	shalt  }
0x67: {  	_ =	shalt  }
0x68: {  	_ =	shalt  }
0x69: {  	_ =	shalt  }
0x6a: {  	_ =	shalt  }
0x6b: {  	_ =	shalt  }
0x6c: {  	_ =	shalt  }
0x6d: {  	_ =	shalt  }
0x6e: {  	_ =	shalt  }
0x6f: {  	_ =	shalt  }
0x70: {  	_ =	shalt  }
0x71: {  	_ =	shalt  }
0x72: {  	_ =	shalt  }
0x73: {  	_ =	shalt  }
0x74: {  	_ =	shalt  }
0x75: {  	_ =	shalt  }
0x76: {  	_ =	shalt  }
0x77: {  	_ =	shalt  }
0x78: {  	_ =	shalt  }
0x79: {  	_ =	shalt  }
0x7a: {  	_ =	shalt  }
0x7b: {  	_ =	shalt  }
0x7c: {  	_ =	shalt  }
0x7d: {  	_ =	shalt  }
0x7e: {  	_ =	shalt  }
0x7f: {  	_ =	shalt  }
0x80: {  	_ =	shalt  }
0x81: {  	_ =	shalt  }
0x82: {  	_ =	shalt  }
0x83: {  	_ =	shalt  }
0x84: {  	_ =	shalt  }
0x85: {  	_ =	shalt  }
0x86: {  	_ =	shalt  }
0x87: {  	_ =	shalt  }
.Lfunc_end0:
.L_simem_size_0:
called_computation_lowered:
.L_overlay_start_0:
0x88: {  	s2 =	sld [smem:$0x3FD9]  }
0x89: {  	s3 =	sld [smem:$0x3FFE];
	_ =	sdelay $0x1  }
0x8a: {  	s1 =	srdreg.scid  }
0x8b: {  	s0 =	sand.u32 $0x1, s1  }
0x8c: {  	s17 =	sshll.u32 s0, $0xA;
	s2 =	sadd.s32 s3, s2  }
0x8d: {  	s2 =	sadd.s32 s2, s17  }
0x8e: {  	[smem:$0x3FC4] =	sst s2  }
0x8f: {  	_ = 	snop  }
0x90: {  	s2 =	sld [smem:$0x3FC9]  }
0x91: {  	s18 =	sld [smem:$0x3FC8]  }
0x92: {  	s4 =	sld [smem:$0x3FD0];
	(tm) =	ssettm $0x1  }
0x93: {  	s5 =	sld [smem:$0x3FFB];
	_ =	sdelay $0x3  }
0x94: {  	_ =	strace s5  }
0x95: {  	s5 =	sld [smem:$0x3FFC];
	_ =	sdelay $0x3  }
0x96: {  	_ =	strace s5  }
0x97: {  	s5 =	sld [smem:$0x3FFD];
	_ =	sdelay $0x3  }
0x98: {  	_ =	strace s5  }
0x99: {  	_ =	strace $0x8FFFFFFF  }
0x9a: {  	s19 =	sld [smem:$0x3FDB];
	_ =	sdelay $0x1  }
0x9b: {  	s6 =	simm.s32 $_scs_section_size  }
0x9c: {  	s7 =	simm.s32 $_size__tile_overlayer_lowered;
	s8 =	simm.s32 $_tile_overlayer_lowered  }
0x9d: {  	s22 =	simm.s32 $0x1BFF;
	s21 =	sshll.u32 s8, $0x1;
	s5 =	sadd.s32 s6, s19  }
0x9e: {  	s9 =	simm.s32 $0x0;
	s20 =	sshll.u32 s7, $0x1;
	s7 =	sadd.s32 s21, s5  }
0x9f: {  	[timem:s9], [sflag:s22] =	dma.local [hbm:s7], s20  }
0xa0: {  	_ =	swait.ge [sflag:s22], s20  }
0xa1: {  	s6 =	ssub.s32 $0x0, s20;
	[sflag:s22] =	ssyncset.done $0x0  }
0xa2: {  	[sflag:s22] =	ssyncadd.s32 s6;
	_ =	sdelay $0x1  }
0xa3: {  	s23 =	simm.s32 $0x1B8B  }
0xa4: {  	_ =	swait.ge [sflag:s23], $0x1  }
0xa5: {  	[sflag:s23] =	ssyncset.done $0x0  }
0xa6: {  	s25 =	simm.s32 $0x1B8E;
	s24 =	sld [smem:$0x3FFE];
	[sflag:s23] =	ssyncadd.s32 $0xFFFFFFFF  }
0xa7: {  	s26 =	simm.s32 $execute0_lowered;
	[smem:$0x3FD2] =	sst s25  }
0xa8: {  	s7 =	sshll.u32 s26, $0x1;
	_ =	strace $0x80000046;
	[dreg:$0x1] =	wrdreg $0xFFFFFFFF  }
0xa9: {  	s28 =	simm.s32 $_size_execute0_lowered;
	s5 =	sadd.s32 s5, s7;
	[dreg:$0x0] =	wrdreg $0x0  }
0xaa: {  	s7 =	sshll.u32 s28, $0x1;
	[dreg:$0x2] =	wrdreg s5  }
0xab: {  	[dreg:$0x3] =	wrdreg s7  }
0xac: {  	[dreg:$0x4] =	wrdreg $0xC0  }
0xad: {  	_ =	task [dreg:s9], $0x5FFFF  }
0xae: {  	[dreg:$0x1] =	wrdreg $0xFFFFFFFF  }
0xaf: {  	[dreg:$0x0] =	wrdreg $0x60  }
0xb0: {  	[dreg:$0x2] =	wrdreg s2  }
0xb1: {  	[dreg:$0x3] =	wrdreg s18  }
0xb2: {  	[dreg:$0x4] =	wrdreg s24  }
0xb3: {  	[dreg:$0x5] =	wrdreg s4  }
0xb4: {  	[dreg:$0x6] =	wrdreg $0x1C7800  }
0xb5: {  	[dreg:$0x7] =	wrdreg $0x9  }
0xb6: {  	_ =	task.clear_ibuf [dreg:s9], $0x8FFFF;
	_ =	strace $0x90000046  }
0xb7: {  	s29 =	simm.s32 $0x9;
	_ =	strace $0x80000048  }
0xb8: {  	_ =	swait.ge [sflag:s29], $0x1  }
0xb9: {  	[sflag:s29] =	ssyncadd.s32 $0xFFFFFFFF  }
0xba: {  	_ =	strace $0x90000048  }
0xbb: {  	_ =	sfence  }
0xbc: {  	s30 =	sld [smem:$0x0];
	_ =	sdelay $0x2  }
0xbd: {  	s31 =	sshll.u32 s1, $0xD;
	s1 =	sshrl.u32 s1, $0x2  }
0xbe: {  	s3 =	sand.u32 $0x4000, s31;
	s1 =	sadd.s32 s1, s30  }
0xbf: {  	s0 =	sor.u32 s3, s0;
	s1 =	sshll.u32 s1, $0x11  }
0xc0: {  	s0 =	sor.u32 s1, s0  }
0xc1: {  	s0 =	sadd.s32 $0x8F2B, s0  }
0xc2: {  	[sflag:s0] =	ssyncadd.remote.s32 $0x1  }
0xc3: {  	_ =	sfence.sel $0xFFFF  }
0xc4: {  	[dreg:$0x0] =	wrdreg $0xFFFFFFFF;
	(pc) =	sbr.abs _section_cstart, $3  }
0xc5: {  	[dreg:$0x1] =	wrdreg $0xFFFFFFFF  }
0xc6: {  	_ =	task.clear_ibuf [dreg:s9], $0x2FFFF;
	_ =	strace $0x9FFFFFFF  }
0xc7: {  	(tm) =	ssettm $0x7FFFFFFF  }
tec
execute0_lowered:
.L_overlay_start_1:
0x0: {  	(tag) =	ssettag $0x1  }
0x1: {  	s0 =	rddreg [dreg:$0x0]  }
0x2: {  	s3 =	rddreg [dreg:$0x1]  }
0x3: {  	s6 =	rddreg [dreg:$0x2]  }
0x4: {  	s7 =	rddreg [dreg:$0x3]  }
0x5: {  	s1 =	rddreg [dreg:$0x4];
	s2 =	simm.s32 $0x0;
	s4 =	srdreg.scid  }
0x6: {  	s8 =	stileid.u32;
	s28 =	simm.s32 $0x8000;
	s29 =	simm.s32 $0x3  }
0x7: {  	s30 =	simm.s32 $0x1;
	s31 =	simm.s32 $0x80;
	[smem:$0x7FF] =	sst s2  }
0x8: {  	s9 =	sand.u32 $0x1, s4;
	s22 =	sshll.u32 s8, $0x1;
	s23 =	sadd.s32 $0x1200, s6  }
0x9: {  	s25 =	sshll.u32 s8, $0xC;
	_ =	strace $0x80000047;
	s5 =	ssub.s32 $0x2, s9  }
0xa: {  	s10 =	sor.u32 s9, s22;
	[dreg:$0x6] =	wrdreg s23;
	s4 =	sadd.s32 s25, s1  }
0xb: {  	s20 =	sshll.u32 s9, $0x5;
	p0 =	seq.s32 s9, $0x1;
	s24 =	sshrl.u32 s5, $0x1  }
0xc: {  	s11 =	sadd.s32 $0xFFFFFFFE, s10;
	s13 =	sshll.u32 s10, $0x8;
	s22 =	sadd.s32 s7, s20  }
0xd: {  	s10 =	sshll.u32 s10, $0xC;
	s12 =	ssub.s32 s5, s24;
	s26 =	sshll.u32 s11, $0x5  }
0xe: {  	s11 =	sshll.u32 s11, $0xC;
	s14 =	sadd.s32 $0x1C00, s13;
	s13 =	sshrl.u32 s13, $0x3  }
0xf: {  	[dreg:$0xd] =	wrdreg s22;
	s24 =	sshll.u32 s8, $0x9;
	s22 =	simm.s32 $0x10200  }
0x10: {  	s5 =	sadd.s32 s3, s26;
	s11 =	sand.u32 $0x1FFFF000, s11;
	s15 =	sshrl.u32 s14, $0x3  }
0x11: {  	s17 =	sadd.s32 s3, s13;
	[dreg:$0x7] =	wrdreg s5;
	s5 =	sadd.s32 $0x10, s5  }
0x12: {  	s19 =	sshll.u32 s14, $0x4;
	s11 =	sadd.s32 s0, s11;
	[dreg:$0x8] =	wrdreg s5  }
0x13: {  	s14 =	smax.u32 s12, $0x1;
	s16 =	sadd.s32 s3, s15;
	[dreg:$0x9] =	wrdreg s11  }
0x14: {  	s12 =	simm.s32 $0x2;
	s18 =	sadd.s32 $0x390, s17;
	[dreg:$0xa] =	wrdreg s16  }
0x15: {  	s13 =	simm.s32 $0xC000;
	s21 =	sadd.s32 s0, s19;
	[dreg:$0xb] =	wrdreg s18  }
0x16: {  	s15 =	sshll.u32 s8, $0x6;
	s0 =	sadd.s32 s0, s10;
	[dreg:$0xc] =	wrdreg s21  }
0x17: {  	s11 =	sshll.u32 s9, $0x8;
	s9 =	simm.s32 $0x4C00;
	s25 =	sor.u32 s20, s15  }
0x18: {  	s26 =	sadd.s32 $0x58000, s0;
	s20 =	sadd.s32 $0x3A000, s0;
	s21 =	simm.s32 $0x5  }
0x19: {  	s0 =	simm.s32 $0x4000;
	s23 =	sadd.s32 $0x1C580, s11;
	s9 =	simm.s32 @!p0 $0x2C00  }
.Ltmp0:
0x1a: {  	s3 =	sadd.s32 s3, s25;
	[dreg:$0xf] =	wrdreg s26;
	(pc) =	sbr.rel .LBB2_1-.Ltmp0, $4  }
0x1b: {  	p0 =	sne.s32 s8, $0x0;
	s25 =	simm.s32 $0x10100;
	s26 =	simm.s32 $0x10180  }
0x1c: {  	[dreg:$0xe] =	wrdreg s23;
	s6 =	sadd.s32 s9, s6;
	s17 =	sadd.s32 $0xB00, s3  }
0x1d: {  	s19 =	sadd.s32 $0x740, s3;
	s23 =	simm.s32 $0x10000;
	s3 =	simm.s32 $0x4  }
0x1e: {  	v0 =	vimm.f32 $0.0e+00;
	v1 =	vlaneseq.u32;
	v2 =	vimm.s32 $0x10;
	s16 =	sadd.s32 s6, s24;
	s24 =	simm.s32 $0x10080;
	s6 =	simm.s32 $0x0  }
.LBB2_11:
0x1f: {  	s6 =	sadd.s32 $0x1, s6  }
0x20: {  	[bflag:$0x0] =	sbarrier.arrive $0xFFFF;
	p1 =	sne.s32 s6, s14  }
.Ltmp1:
0x21: {  	s5 =	sor.u32 $0x1C05, s15;
	s7 =	sshrl.u32 s4, $0x3;
	(pc) =	sbr.rel @!p1 .LBB2_12-.Ltmp1, $4  }
0x22: {  	[hbm:s16], [sflag:s5] =	dma.local [spmem:s7], $0x200  }
0x23: {  	_ =	swait.ge [sflag:s21], $0x200  }
0x24: {  	[sflag:s21] =	ssyncset.done $0x0  }
0x25: {  	[sflag:s21] =	ssyncadd.s32 $0xFFFFFE00  }
.LBB2_1:
0x26: {  	s7 =	simm.s32 $0x0;
	s8 =	simm.s32 $0x200  }
.LBB2_2:
0x27: {  	p1 =	sne.s32 s8, $0x3E00;
	[tilespmem:s7+$0x70] =	vst v0  }
0x28: {  	[tilespmem:s7+$0x0] =	vst v0  }
0x29: {  	[tilespmem:s7+$0x10] =	vst v0  }
.Ltmp2:
0x2a: {  	[tilespmem:s7+$0x20] =	vst v0;
	(pc) =	sbr.rel @p1 .LBB2_2-.Ltmp2, $4  }
0x2b: {  	[tilespmem:s7+$0x30] =	vst v0  }
0x2c: {  	[tilespmem:s7+$0x40] =	vst v0  }
0x2d: {  	[tilespmem:s7+$0x50] =	vst v0  }
0x2e: {  	[tilespmem:s7+$0x60] =	vst v0;
	s7 =	sshra.s32 s8, $0x2;
	s8 =	sadd.s32 $0x200, s8  }
0x2f: {  	[tilespmem:s7+$0x70] =	vst v0  }
0x30: {  	[tilespmem:s7+$0x0] =	vst v0  }
0x31: {  	[tilespmem:s7+$0x10] =	vst v0  }
0x32: {  	[tilespmem:s7+$0x20] =	vst v0  }
0x33: {  	[tilespmem:s7+$0x30] =	vst v0  }
0x34: {  	[tilespmem:s7+$0x40] =	vst v0  }
0x35: {  	[tilespmem:s7+$0x50] =	vst v0  }
0x36: {  	[tilespmem:s7+$0x60] =	vst v0  }
0x37: {  	[spmem:s4] =	stream.linear.scatter [tilespmem:s2], [sflag:$0x5], $0x1000, $0x38;
	[tilespmem:$0x1D780] =	vst v63  }
.Ltmp3:
0x38: {  	_ =	swait.ge [sflag:s21], $0x1000;
	(pc) =	sbr.rel @!p0 .LBB2_4-.Ltmp3, $4  }
0x39: {  	[sflag:s21] =	ssyncset.done $0x0  }
0x3a: {  	[sflag:s21] =	ssyncadd.s32 $0xFFFFF000  }
0x3b: {  	[bflag:$0x0] =	sbarrier.arrive $0xFFFF  }
0x3c: {  	s7 =	simm.s32 $0x0  }
0x3d: {  	s5 =	rddreg [dreg:$0x7]  }
0x3e: {  	s18 =	rddreg [dreg:$0x8]  }
0x3f: {  	[tilespmem:s23], [sflag:$0x3] =	stream.linear.gather [hbm4b:s5+s7], $0x80, $0x38;
	[tilespmem:$0x1D780] =	vst v63  }
0x40: {  	s8 =	rddreg [dreg:$0x9]  }
0x41: {  	[tilespmem:s24], [sflag:$0x3] =	stream.linear.gather [hbm4b:s18+s7], $0x80, $0x38;
	[tilespmem:$0x1D780] =	vst v63  }
0x42: {  	s9 =	rddreg [dreg:$0xa]  }
0x43: {  	[tilespmem:s7], [sflag:$0x1] =	stream.linear.gather [hbm4b:s8+s7], $0x8000, $0x38;
	[tilespmem:$0x1D780] =	vst v63  }
0x44: {  	s10 =	rddreg [dreg:$0xb]  }
0x45: {  	[tilespmem:s25], [sflag:$0x4] =	stream.linear.gather [hbm4b:s9+s7], $0x80, $0x38;
	[tilespmem:$0x1D780] =	vst v63  }
0x46: {  	s18 =	rddreg [dreg:$0xc]  }
0x47: {  	[tilespmem:s26], [sflag:$0x4] =	stream.linear.gather [hbm4b:s10+s7], $0x80, $0x38;
	[tilespmem:$0x1D780] =	vst v63  }
0x48: {  	s8 =	smov.u32 s20;
	s9 =	rddreg [dreg:$0xf]  }
0x49: {  	[tilespmem:s28], [sflag:$0x2] =	stream.linear.gather [hbm4b:s18+s7], $0x8000, $0x38;
	[tilespmem:$0x1D780] =	vst v63  }
.LBB2_14:
0x4a: {  	_ =	swait.ge [sflag:s29], $0x80  }
0x4b: {  	[sflag:s29] =	ssyncset.done $0x0  }
0x4c: {  	[sflag:s29] =	ssyncadd.s32 $0xFFFFFF80  }
0x4d: {  	_ =	swait.ge [sflag:s29], $0x80  }
0x4e: {  	[sflag:s29] =	ssyncset.done $0x0  }
0x4f: {  	[sflag:s29] =	ssyncadd.s32 $0xFFFFFF80  }
0x50: {  	_ =	swait.ge [sflag:s30], $0x8000  }
0x51: {  	[sflag:s30] =	ssyncset.done $0x0  }
0x52: {  	[sflag:s30] =	ssyncadd.s32 $0xFFFF8000  }
0x53: {  	[spmem:s1] =	stream.indirect.scatter.add.f32 [tilespmem:s2], [sflag:$0x5], $0x80, s23, s31, $0xb8;
	[tilespmem:$0x1D780] =	vst v63  }
0x54: {  	_ =	swait.ge [sflag:s21], $0x4000  }
0x55: {  	[sflag:s21] =	ssyncset.done $0x0  }
0x56: {  	[sflag:s21] =	ssyncadd.s32 $0xFFFFC000  }
0x57: {  	[spmem:s1] =	stream.indirect.scatter.add.f32 [tilespmem:s0], [sflag:$0x5], $0x80, s24, s31, $0xb8;
	[tilespmem:$0x1D780] =	vst v63  }
0x58: {  	p1 =	seq.s32 s7, $0x1E00;
	_ =	swait.ge [sflag:s21], $0x4000  }
0x59: {  	s10 =	sadd.s32 @!p1 s7, s19;
	[sflag:s21] =	ssyncset.done $0x0  }
0x5a: {  	s5 =	simm.s32 @!p1 $0x0;
	s18 =	simm.s32 @!p1 $0x10000;
	[sflag:s21] =	ssyncadd.s32 $0xFFFFC000  }
0x5b: {  	[tilespmem:s18], [sflag:$0x3] =	stream.linear.gather @!p1 [hbm4b:s10+s5], $0x80, $0x38;
	[tilespmem:$0x1D780] =	vst v63  }
0x5c: {  	s10 =	sadd.s32 @!p1 $0x10, s10;
	s18 =	simm.s32 @!p1 $0x10080  }
0x5d: {  	[tilespmem:s18], [sflag:$0x3] =	stream.linear.gather @!p1 [hbm4b:s10+s5], $0x80, $0x38;
	[tilespmem:$0x1D780] =	vst v63  }
0x5e: {  	_ = 	snop  }
0x5f: {  	[tilespmem:s5], [sflag:$0x1] =	stream.linear.gather @!p1 [hbm4b:s8+s5], $0x8000, $0x38;
	[tilespmem:$0x1D780] =	vst v63  }
0x60: {  	_ =	swait.ge [sflag:s3], $0x80  }
0x61: {  	[sflag:s3] =	ssyncset.done $0x0  }
0x62: {  	[sflag:s3] =	ssyncadd.s32 $0xFFFFFF80  }
0x63: {  	_ =	swait.ge [sflag:s3], $0x80  }
0x64: {  	[sflag:s3] =	ssyncset.done $0x0  }
0x65: {  	[sflag:s3] =	ssyncadd.s32 $0xFFFFFF80  }
0x66: {  	_ =	swait.ge [sflag:s12], $0x8000  }
0x67: {  	[sflag:s12] =	ssyncset.done $0x0  }
0x68: {  	[sflag:s12] =	ssyncadd.s32 $0xFFFF8000  }
0x69: {  	[spmem:s1] =	stream.indirect.scatter.add.f32 [tilespmem:s28], [sflag:$0x5], $0x80, s25, s31, $0xb8;
	[tilespmem:$0x1D780] =	vst v63  }
0x6a: {  	_ =	swait.ge [sflag:s21], $0x4000  }
0x6b: {  	[sflag:s21] =	ssyncset.done $0x0  }
.Ltmp4:
0x6c: {  	[sflag:s21] =	ssyncadd.s32 $0xFFFFC000;
	(pc) =	sbr.rel @p1 .LBB2_11-.Ltmp4, $4  }
0x6d: {  	[spmem:s1] =	stream.indirect.scatter.add.f32 [tilespmem:s13], [sflag:$0x5], $0x80, s26, s31, $0xb8;
	[tilespmem:$0x1D780] =	vst v63  }
0x6e: {  	_ =	swait.ge [sflag:s21], $0x4000  }
0x6f: {  	[sflag:s21] =	ssyncset.done $0x0  }
0x70: {  	[sflag:s21] =	ssyncadd.s32 $0xFFFFC000  }
0x71: {  	s5 =	sadd.s32 s7, s17  }
0x72: {  	[tilespmem:s25], [sflag:$0x4] =	stream.linear.gather [hbm4b:s5+s2], $0x80, $0x38;
	[tilespmem:$0x1D780] =	vst v63  }
.Ltmp5:
0x73: {  	s5 =	sadd.s32 $0x10, s5;
	(pc) =	sbr.rel .LBB2_14-.Ltmp5, $4  }
0x74: {  	[tilespmem:s26], [sflag:$0x4] =	stream.linear.gather [hbm4b:s5+s2], $0x80, $0x38;
	[tilespmem:$0x1D780] =	vst v63  }
0x75: {  	_ = 	snop  }
0x76: {  	[tilespmem:s28], [sflag:$0x2] =	stream.linear.gather [hbm4b:s9+s2], $0x8000, $0x38;
	[tilespmem:$0x1D780] =	vst v63  }
0x77: {  	s7 =	sadd.s32 $0x780, s7;
	s8 =	sadd.s32 $0x3C000, s8;
	s9 =	sadd.s32 $0x3C000, s9  }
.LBB2_4:
0x78: {  	s5 =	rddreg [dreg:$0x6]  }
0x79: {  	[tilespmem:s22], [sflag:$0x5] =	stream.linear.gather [hbm4b:s5+s7], $0xC380, $0x38;
	[tilespmem:$0x1D780] =	vst v63  }
0x7a: {  	_ =	swait.ge [sflag:s21], $0xC380  }
0x7b: {  	[sflag:s21] =	ssyncset.done $0x0  }
0x7c: {  	[sflag:s21] =	ssyncadd.s32 $0xFFFF3C80  }
.LBB2_5:
0x7d: {  	s8 =	sshll.u32 s7, $0x4  }
0x7e: {  	v3 =	vimm.s32 $0x0;
	v4 =	vimm.s32 $0x186A0;
	s9 =	sor.u32 s11, s8  }
0x7f: {  	s10 =	simm.s32 $0x10;
	v6 =	vadd.s32 v3, v4;
	v5 =	vor.u32 s9, v1  }
.LBB2_6:
0x80: {  	p1 =	sne.s32 s10, $0x1;
	v7 =	vshrl.u32 v6, $0x1  }
0x81: {  	v7 =	vmin.u32 v7, $0x1869F  }
0x82: {  	vm0 =	vlt.u32 v6, $0x186A0;
	v6 =	vadd.s32 $0xFFFF3CB0, v7  }
0x83: {  	v6 =	vsel vm0, v7, v6;
	_ =	sdelay $0x4  }
0x84: {  	v6 =	vld.idx.msk [tilespmem:v6+s22+$0x0], $0xffff;
	_ =	sdelay $0x4  }
0x85: {  	v8 =	vsel vm0, $0x0, v2  }
0x86: {  	v6 =	vshrl.u32 v6, v8  }
.Ltmp6:
0x87: {  	v6 =	vand.u32 $0xFFFF, v6;
	(pc) =	sbr.rel @p1 .LBB2_6-.Ltmp6, $4  }
0x88: {  	vm2 =	vlt.s32 v3, v4;
	vm0 =	vlt.u32 v6, v5;
	vm1 =	vge.u32 v6, v5  }
0x89: {  	v6 =	vadd.s32 $0x1, v7;
	vm1 =	vmand vm2, vm1;
	vm0 =	vmand vm2, vm0  }
0x8a: {  	v4 =	vsel vm1, v7, v4;
	v3 =	vsel vm0, v6, v3  }
0x8b: {  	s10 =	sadd.s32 $0xFFFFFFFF, s10;
	v6 =	vadd.s32 v3, v4  }
0x8c: {  	v7 =	vshrl.u32 v6, $0x1  }
0x8d: {  	v7 =	vmin.u32 v7, $0x1869F  }
0x8e: {  	vm0 =	vlt.u32 v6, $0x186A0;
	v6 =	vadd.s32 $0xFFFF3CB0, v7  }
0x8f: {  	v6 =	vsel vm0, v7, v6;
	_ =	sdelay $0x4  }
0x90: {  	v6 =	vld.idx.msk [tilespmem:v6+s22+$0x0], $0xffff;
	_ =	sdelay $0x3  }
0x91: {  	v8 =	vsel vm0, $0x0, v2  }
0x92: {  	v6 =	vshrl.u32 v6, v8  }
0x93: {  	v6 =	vand.u32 $0xFFFF, v6  }
0x94: {  	vm1 =	vlt.s32 v3, v4;
	v4 =	vimm.s32 $0x0;
	vm15 =	vlt.u32 v6, v5  }
0x95: {  	s10 =	sor.u32 $0x1, s9;
	v6 =	vadd.s32 $0x1, v7;
	v5 =	vimm.s32 $0x186A0;
	vm0 =	vmand vm1, vm15  }
0x96: {  	v7 =	vadd.s32 v4, v5;
	v3 =	vsel vm0, v6, v3;
	v6 =	vadd.s32 s10, v1;
	s10 =	simm.s32 $0x10  }
.LBB2_8:
0x97: {  	p1 =	sne.s32 s10, $0x1;
	v8 =	vshrl.u32 v7, $0x1  }
0x98: {  	v8 =	vmin.u32 v8, $0x1869F  }
0x99: {  	vm0 =	vlt.u32 v7, $0x186A0;
	v7 =	vadd.s32 $0xFFFF3CB0, v8  }
0x9a: {  	v7 =	vsel vm0, v8, v7;
	_ =	sdelay $0x4  }
0x9b: {  	v7 =	vld.idx.msk [tilespmem:v7+s22+$0x0], $0xffff;
	_ =	sdelay $0x4  }
0x9c: {  	v9 =	vsel vm0, $0x0, v2  }
0x9d: {  	v7 =	vshrl.u32 v7, v9  }
.Ltmp7:
0x9e: {  	v7 =	vand.u32 $0xFFFF, v7;
	(pc) =	sbr.rel @p1 .LBB2_8-.Ltmp7, $4  }
0x9f: {  	vm2 =	vlt.s32 v4, v5;
	vm0 =	vlt.u32 v7, v6;
	vm1 =	vge.u32 v7, v6  }
0xa0: {  	v7 =	vadd.s32 $0x1, v8;
	vm1 =	vmand vm2, vm1;
	vm0 =	vmand vm2, vm0  }
0xa1: {  	v5 =	vsel vm1, v8, v5;
	v4 =	vsel vm0, v7, v4  }
0xa2: {  	s10 =	sadd.s32 $0xFFFFFFFF, s10;
	v7 =	vadd.s32 v4, v5  }
0xa3: {  	v8 =	vshrl.u32 v7, $0x1  }
0xa4: {  	v8 =	vmin.u32 v8, $0x1869F  }
0xa5: {  	vm0 =	vlt.u32 v7, $0x186A0;
	v61 =	vadd.s32 $0xFFFF3CB0, v8  }
0xa6: {  	v7 =	vsel vm0, v8, v61;
	_ =	sdelay $0x4  }
0xa7: {  	v7 =	vld.idx.msk [tilespmem:v7+s22+$0x0], $0xffff;
	_ =	sdelay $0x3  }
0xa8: {  	v9 =	vsel vm0, $0x0, v2  }
0xa9: {  	v7 =	vshrl.u32 v7, v9  }
0xaa: {  	v7 =	vand.u32 $0xFFFF, v7  }
0xab: {  	vm1 =	vlt.s32 v4, v5;
	s7 =	sadd.s32 $0x1, s7;
	vm15 =	vlt.u32 v7, v6  }
0xac: {  	p1 =	sne.s32 s7, $0x10;
	v62 =	vadd.s32 $0x1, v8;
	vm0 =	vmand vm1, vm15  }
.Ltmp8:
0xad: {  	v63 =	vsel vm0, v62, v4;
	(pc) =	sbr.rel @p1 .LBB2_5-.Ltmp8, $4  }
0xae: {  	v3 =	vsub.s32 v63, v3  }
0xaf: {  	s9 =	sand.u32 $0x180, s9;
	s8 =	sand.u32 $0x70, s8;
	v3 =	vcvt.s32.f32 v3  }
0xb0: {  	s8 =	sor.u32 s8, s9  }
0xb1: {  	[tilespmem:s8+$0x1C580] =	vst v3  }
0xb2: {  	s5 =	rddreg [dreg:$0xd]  }
.Ltmp9:
0xb3: {  	s7 =	rddreg [dreg:$0xe];
	(pc) =	sbr.rel .LBB2_11-.Ltmp9, $4  }
0xb4: {  	[hbm4b:s5+s2] =	stream.linear.scatter [tilespmem:s7], [sflag:$0x5], $0x100, $0x38;
	[tilespmem:$0x1D780] =	vst v63  }
0xb5: {  	_ =	swait.ge [sflag:s21], $0x100  }
0xb6: {  	[sflag:s21] =	ssyncset.done $0x0  }
0xb7: {  	[sflag:s21] =	ssyncadd.s32 $0xFFFFFF00  }
.LBB2_12:
0xb8: {  	_ =	sfence.sel $0x180000  }
0xb9: {  	[bflag:$0x0] =	sbarrier.arrive $0xFFFF  }
0xba: {  	_ =	strace $0x90000047  }
0xbb: {  	[bflag:$0x2] =	sbarrier.arrive $0xFFFF  }
0xbc: {  	s0 =	rddreg [dreg:$0x5]  }
0xbd: {  	s0 =	sadd.s32 @!p0 $0x100000, s0  }
0xbe: {  	[sflag:s0] =	ssyncadd.tile.s32 @!p0 $0x1;
	_ =	shalt  }
.Lfunc_end2:
_tile_overlayer_lowered:
.L_overlay_start_2:
0xbf: {  	(tag) =	ssettag $0x2  }
0xc0: {  	s0 =	rddreg [dreg:$0x0];
	s2 =	stileid.u32  }
0xc1: {  	s1 =	rddreg [dreg:$0x1];
	p0 =	sne.s32 s2, $0x0  }
0xc2: {  	s3 =	rddreg [dreg:$0x2];
	[bflag:$0x3] =	sbarrier.arrive $0xFFFF;
	s2 =	simm.s32 @!p0 $0x1C05  }
0xc3: {  	[timem:s3], [sflag:s2] =	dma.local @!p0 [hbm:s0], s1  }
0xc4: {  	s0 =	simm.s32 @!p0 $0x5  }
0xc5: {  	_ =	swait.ge @!p0 [sflag:s0], s1  }
0xc6: {  	s1 =	ssub.s32 @!p0 $0x0, s1;
	[sflag:s0] =	ssyncset.done @!p0 $0x0  }
0xc7: {  	[sflag:s0] =	ssyncadd.s32 @!p0 s1  }
0xc8: {  	[bflag:$0x3] =	sbarrier.arrive $0xFFFF  }
0xc9: {  	_ =	shalt  }

</sc_bundles>
